<compile_context>
chip_gen: v7x
topology: tpu7x:2x2x1
jax: 0.10.2.dev20260603
libtpu: 0.0.44.dev20260713+nightly
codegen_flags: <defaults>
</compile_context>

<pallas_src>
import functools

import jax
import jax.numpy as jnp
from jax import lax
from jax.experimental import pallas as pl
from jax.experimental.pallas import tpu as pltpu
from jax.experimental.pallas import tpu_sc as plsc

EPS = 1e-08
F32 = jnp.float32


_TR_CHT = 8192


def _tr_kernel(b0, b1, b2, b3, eye_ref, out_ref):
    b = jnp.concatenate([b0[...], b1[...], b2[...], b3[...]], axis=0)
    out_ref[...] = lax.dot_general(b, eye_ref[...],
                                   (((0,), (0,)), ((), ())),
                                   preferred_element_type=F32)


def _row_majorize(tabT, V):
    nmax = (V - 1) // _TR_CHT
    ni = -(-(V // 4) // _TR_CHT)
    q2 = ni * _TR_CHT

    def make_map(j):
        return lambda i: (0, jnp.minimum(j * ni + i, nmax))

    out = pl.pallas_call(
        _tr_kernel,
        grid=(ni,),
        in_specs=[pl.BlockSpec((32, _TR_CHT), make_map(j)) for j in range(4)]
        + [pl.BlockSpec((128, 128), lambda i: (0, 0))],
        out_specs=pl.BlockSpec((_TR_CHT, 128), lambda i: (i, 0)),
        out_shape=jax.ShapeDtypeStruct((q2, 128), F32),
    )(tabT, tabT, tabT, tabT, jnp.eye(128, dtype=F32))
    return out, q2


def _sc_gather_all(V_item, V_cate, V_user, V_ctx, NBIG, B, D):
    info = plsc.get_sparse_core_info()
    NC, NS = info.num_cores, info.num_subcores
    NW = NC * NS
    per_w = NBIG // NW
    CH = 1600
    NCH = per_w // CH
    SB = B // NW
    P = NBIG // 4
    mesh = plsc.VectorSubcoreMesh(core_axis_name="c", subcore_axis_name="s")

    @functools.partial(
        pl.kernel,
        mesh=mesh,
        compiler_params=pltpu.CompilerParams(use_tc_tiling_on_sc=False),
        out_type=(
            jax.ShapeDtypeStruct((NBIG, D), F32),
            jax.ShapeDtypeStruct((NBIG, D), F32),
            jax.ShapeDtypeStruct((B, D), F32),
            jax.ShapeDtypeStruct((B, D), F32),
            jax.ShapeDtypeStruct((B, D), F32),
            jax.ShapeDtypeStruct((B, D), F32),
        ),
        scratch_types=[
            pltpu.VMEM((CH,), jnp.int32),
            pltpu.VMEM((CH,), jnp.int32),
            pltpu.VMEM((CH, D), F32),
            pltpu.VMEM((CH, D), F32),
            pltpu.VMEM((SB,), jnp.int32),
            pltpu.VMEM((SB, D), F32),
            pltpu.SemaphoreType.DMA,
            pltpu.SemaphoreType.DMA,
        ],
    )
    def k(Ei, Ec, Eu, Ex, bi, bc, cand_i, cand_c, uid, ctxid,
          gi_out, gc_out, ci_out, cc_out, ui_out, xi_out,
          idx0, idx1, rows0, rows1, sidx_v, srows_v, gsem, wsem):
        wid = lax.axis_index("s") * NC + lax.axis_index("c")
        idxs = (idx0, idx1)
        rows = (rows0, rows1)
        prev = None
        for tab, idxarr, outarr in ((Ei, bi, gi_out), (Ec, bc, gc_out)):
            base = wid * per_w
            for c in range(NCH):
                b = c % 2
                off = base + c * CH
                pltpu.sync_copy(idxarr.at[pl.ds(off, CH)], idxs[b])
                g = pltpu.async_copy(tab.at[idxs[b]], rows[b], gsem)
                if prev is not None:
                    prev.wait()
                g.wait()
                prev = pltpu.async_copy(rows[b], outarr.at[pl.ds(off, CH)],
                                        wsem)
        prev.wait()
        for tab, idxarr, outarr in ((Ei, cand_i, ci_out), (Ec, cand_c, cc_out),
                                    (Eu, uid, ui_out), (Ex, ctxid, xi_out)):
            off = wid * SB
            pltpu.sync_copy(idxarr.at[pl.ds(off, SB)], sidx_v)
            pltpu.async_copy(tab.at[sidx_v], srows_v, gsem).wait()
            pltpu.sync_copy(srows_v, outarr.at[pl.ds(off, SB)])

    return k


def _attn_kernel(NB, Bb, RB, N, ci_ref, cc_ref, gi_ref, gc_ref, mask_ref,
                 wb_ref, wc_ref, t36_ref, t32_ref, rep_ref, rept_ref,
                 wa2_ref, r4_ref, ai_ref, ac_ref, ba1_ref, alpha_ref, ba2_ref,
                 out_ref, ssum, ssq):
    i = pl.program_id(0)

    ci = ci_ref[...]
    cc = cc_ref[...]
    gi = gi_ref[...]
    gc = gc_ref[...]
    rep = rep_ref[...]
    wc = wc_ref[...]

    q = jnp.dot(ci, wc[0:32, :], preferred_element_type=F32)
    q = q + jnp.dot(cc, wc[32:64, :], preferred_element_type=F32)
    q144 = jnp.dot(q, t36_ref[...], preferred_element_type=F32)
    qrows = jnp.dot(rep, q144, preferred_element_type=F32)
    ci4 = jnp.dot(ci, t32_ref[...], preferred_element_type=F32)
    cc4 = jnp.dot(cc, t32_ref[...], preferred_element_type=F32)
    cirows = jnp.dot(rep, ci4, preferred_element_type=F32)
    ccrows = jnp.dot(rep, cc4, preferred_element_type=F32)
    prodi = gi * cirows
    prodc = gc * ccrows
    BF = jnp.bfloat16
    x = jnp.concatenate(
        [gi.astype(BF), gc.astype(BF), prodi.astype(BF), prodc.astype(BF)],
        axis=1)
    h = jnp.dot(x, wb_ref[...].astype(BF), preferred_element_type=F32)
    h = h + qrows + ba1_ref[...]

    @pl.when(i == 0)
    def _init():
        ssum[...] = jnp.zeros_like(ssum)
        ssq[...] = jnp.zeros_like(ssq)

    @pl.when(i < NB)
    def _sweep1():
        ssum[...] += jnp.sum(h, axis=0, keepdims=True)
        ssq[...] += jnp.sum(h * h, axis=0, keepdims=True)
        out_ref[...] = jnp.zeros_like(out_ref)

    @pl.when(i >= NB)
    def _sweep2():
        t36 = t36_ref[...]
        s36 = jnp.dot(ssum[...], t36.T, preferred_element_type=F32)
        e36 = jnp.dot(ssq[...], t36.T, preferred_element_type=F32)
        m36 = s36 / N
        v36 = e36 / N - m36 * m36
        m144 = jnp.dot(m36, t36, preferred_element_type=F32)
        v144 = jnp.dot(v36, t36, preferred_element_type=F32)
        p = jax.nn.sigmoid((h - m144) * lax.rsqrt(v144 + EPS))
        d = h * (p + (1.0 - p) * alpha_ref[...])
        w4 = jnp.dot(d, wa2_ref[...], preferred_element_type=F32) + ba2_ref[...]
        w4 = w4 * mask_ref[...]
        wbig = jnp.dot(w4, r4_ref[...], preferred_element_type=F32)
        rept = rept_ref[...]
        si = jnp.dot(rept, wbig * gi, preferred_element_type=F32)
        sc2 = jnp.dot(rept, wbig * gc, preferred_element_type=F32)
        out_ref[...] = (jnp.dot(si, ai_ref[...], preferred_element_type=F32)
                        + jnp.dot(sc2, ac_ref[...], preferred_element_type=F32))


def _attention(gi, gc, ci, cc, mask_p, W_a1, b_a1, alpha_a, W_a2, b_a2,
               B, L):
    NB = 16
    Bb = B // NB
    RB = Bb * (L // 4)
    P = B * L // 4
    N = B * L
    eye4 = jnp.eye(4, dtype=F32)
    W1, W2, W3, W4 = (W_a1[0:64], W_a1[64:128], W_a1[128:192], W_a1[192:256])
    Wi = W1 - W3
    Wc = W2 + W3
    wb = jnp.concatenate([
        jnp.kron(eye4, Wi[0:32]), jnp.kron(eye4, Wi[32:64]),
        jnp.kron(eye4, W4[0:32]), jnp.kron(eye4, W4[32:64])], axis=0)
    t36 = jnp.tile(jnp.eye(36, dtype=F32), (1, 4))
    t32 = jnp.tile(jnp.eye(32, dtype=F32), (1, 4))
    rep = jnp.kron(jnp.eye(Bb, dtype=F32), jnp.ones((L // 4, 1), F32))
    rept = rep.T
    wa2 = jnp.kron(eye4, W_a2)
    r4 = jnp.kron(eye4, jnp.ones((1, 32), F32))
    t32v = jnp.tile(jnp.eye(32, dtype=F32), (4, 1))
    ai = jnp.concatenate([t32v, jnp.zeros((128, 96), F32)], axis=1)
    ac = jnp.concatenate([jnp.zeros((128, 32), F32), t32v,
                          jnp.zeros((128, 64), F32)], axis=1)
    ba1 = jnp.tile(b_a1.reshape(1, 36), (1, 4))
    alpha = jnp.tile(alpha_a.reshape(1, 36), (1, 4))
    ba2 = jnp.tile(b_a2.reshape(1, 1), (1, 4))

    def cmap(i):
        return (0, 0)

    def bmap(i):
        return (i % NB, 0)

    grid = (2 * NB,)
    out = pl.pallas_call(
        functools.partial(_attn_kernel, NB, Bb, RB, float(N)),
        grid=grid,
        in_specs=[
            pl.BlockSpec((Bb, 32), bmap),
            pl.BlockSpec((Bb, 32), bmap),
            pl.BlockSpec((RB, 128), bmap),
            pl.BlockSpec((RB, 128), bmap),
            pl.BlockSpec((RB, 4), bmap),
            pl.BlockSpec((512, 144), cmap),
            pl.BlockSpec((64, 36), cmap),
            pl.BlockSpec((36, 144), cmap),
            pl.BlockSpec((32, 128), cmap),
            pl.BlockSpec((RB, Bb), cmap),
            pl.BlockSpec((Bb, RB), cmap),
            pl.BlockSpec((144, 4), cmap),
            pl.BlockSpec((4, 128), cmap),
            pl.BlockSpec((128, 128), cmap),
            pl.BlockSpec((128, 128), cmap),
            pl.BlockSpec((1, 144), cmap),
            pl.BlockSpec((1, 144), cmap),
            pl.BlockSpec((1, 4), cmap),
        ],
        out_specs=pl.BlockSpec((Bb, 128), bmap),
        out_shape=jax.ShapeDtypeStruct((B, 128), F32),
        scratch_shapes=[
            pltpu.VMEM((1, 144), F32),
            pltpu.VMEM((1, 144), F32),
        ],
        compiler_params=pltpu.CompilerParams(
            dimension_semantics=("arbitrary",)),
    )(ci, cc, gi, gc, mask_p, wb, Wc, t36, t32, rep, rept, wa2, r4, ai, ac,
      ba1, alpha, ba2)
    return out


def _fc_kernel(Bf, ui_ref, pool_ref, ci_ref, cc_ref, xi_ref,
               w1_ref, b1_ref, a1_ref, w2_ref, b2_ref, a2_ref,
               w3_ref, b3_ref, out_ref):
    fc_in = jnp.concatenate(
        [ui_ref[...], pool_ref[...][:, 0:64], ci_ref[...], cc_ref[...],
         xi_ref[...]], axis=1)
    x = jnp.dot(fc_in, w1_ref[...], preferred_element_type=F32) + b1_ref[...]
    mean = jnp.mean(x, axis=0, keepdims=True)
    var = jnp.mean((x - mean) ** 2, axis=0, keepdims=True)
    p = jax.nn.sigmoid((x - mean) / jnp.sqrt(var + EPS))
    x = x * (p + (1.0 - p) * a1_ref[...])
    x = jnp.dot(x, w2_ref[...], preferred_element_type=F32) + b2_ref[...]
    mean = jnp.mean(x, axis=0, keepdims=True)
    var = jnp.mean((x - mean) ** 2, axis=0, keepdims=True)
    p = jax.nn.sigmoid((x - mean) / jnp.sqrt(var + EPS))
    x = x * (p + (1.0 - p) * a2_ref[...])
    x = jnp.dot(x, w3_ref[...], preferred_element_type=F32) + b3_ref[...]
    m = jnp.max(x, axis=-1, keepdims=True)
    e = jnp.exp(x - m)
    out_ref[...] = e / jnp.sum(e, axis=-1, keepdims=True)


def _fc_top(pooled, ui, ci, cc, xi, W_f1, b_f1, alpha_f1, W_f2, b_f2,
            alpha_f2, W_f3, b_f3, B):
    return pl.pallas_call(
        functools.partial(_fc_kernel, B),
        out_shape=jax.ShapeDtypeStruct((B, 2), F32),
    )(ui, pooled, ci, cc, xi,
      W_f1, b_f1.reshape(1, -1), alpha_f1.reshape(1, -1),
      W_f2, b_f2.reshape(1, -1), alpha_f2.reshape(1, -1),
      W_f3, b_f3.reshape(1, -1))


def kernel(user_id, beh_item, beh_cate, cand_item, cand_cate, ctx_id, mask,
           E_user, E_item, E_cate, E_ctx,
           W_a1, b_a1, alpha_a, W_a2, b_a2,
           W_f1, b_f1, alpha_f1, W_f2, b_f2, alpha_f2, W_f3, b_f3):
    B, L = beh_item.shape
    D = E_item.shape[1]
    N = B * L
    bi = beh_item.reshape(-1).astype(jnp.int32)
    bc = beh_cate.reshape(-1).astype(jnp.int32)
    V = E_item.shape[0]
    E_item_rm, q2i = _row_majorize(E_item.T, V)
    E_item_rm = E_item_rm.reshape(4 * q2i, D)
    bi = (bi % q2i) * 4 + bi // q2i
    ct = cand_item.astype(jnp.int32)
    ct = (ct % q2i) * 4 + ct // q2i
    Vu = E_user.shape[0]
    E_user_rm, q2u = _row_majorize(E_user.T, Vu)
    E_user_rm = E_user_rm.reshape(4 * q2u, D)
    uid = user_id.astype(jnp.int32)
    uid = (uid % q2u) * 4 + uid // q2u
    gi, gc, ci, cc, ui, xi = _sc_gather_all(
        4 * q2i, E_cate.shape[0], 4 * q2u, E_ctx.shape[0],
        N, B, D,
    )(E_item_rm, E_cate, E_user_rm, E_ctx, bi, bc,
      ct, cand_cate.astype(jnp.int32),
      uid, ctx_id.astype(jnp.int32))
    gi = gi.reshape(N // 4, 128)
    gc = gc.reshape(N // 4, 128)

    mask_p = mask.reshape(N // 4, 4)
    pooled = _attention(gi, gc, ci, cc, mask_p, W_a1, b_a1, alpha_a,
                        W_a2, b_a2, B, L)
    return _fc_top(pooled, ui, ci, cc, xi, W_f1, b_f1, alpha_f1,
                   W_f2, b_f2, alpha_f2, W_f3, b_f3, B)

# --- scband reference (transcript-rebuilt; emitter-appended) ---
"""Pipeline reference for scband-din-77756087927382 (READ-ONLY COPY).

The authoritative reference and input builder live on the scoring server;
editing this copy changes nothing except your own understanding.
"""

import jax, jax.numpy as jnp
import numpy as np

EPS = 1e-08

def dice2(s, alpha):
    # s: [B, d]; BatchNorm1d with batch statistics (train mode), weight=1, bias=0
    mean = jnp.mean(s, axis=0)
    var = jnp.mean((s - mean) ** 2, axis=0)
    p = jax.nn.sigmoid((s - mean) / jnp.sqrt(var + EPS))
    return p * s + (1.0 - p) * alpha * s

def dice3(s, alpha):
    # s: [B, L, d] -> transpose(1,2) -> [B, d, L]; BN over (batch, L) per channel
    st = jnp.transpose(s, (0, 2, 1))
    mean = jnp.mean(st, axis=(0, 2), keepdims=True)
    var = jnp.mean((st - mean) ** 2, axis=(0, 2), keepdims=True)
    p = jax.nn.sigmoid((st - mean) / jnp.sqrt(var + EPS))
    out = p * st + (1.0 - p) * alpha * st  # alpha: [d, 1]
    return jnp.transpose(out, (0, 2, 1))

def setup_inputs(seed: int = 0) -> dict:
    key = jax.random.key(seed)
    ks = jax.random.split(key, 24)
    B, L, D = 1024, 200, 32
    V_user, V_item, V_cate, V_ctx = 100000, 1000000, 1000, 1000
    inp = {}
    inp['user_id'] = jax.random.randint(ks[0], (B,), 0, V_user)
    inp['beh_item'] = jax.random.randint(ks[1], (B, L), 0, V_item)
    inp['beh_cate'] = jax.random.randint(ks[2], (B, L), 0, V_cate)
    inp['cand_item'] = jax.random.randint(ks[3], (B,), 0, V_item)
    inp['cand_cate'] = jax.random.randint(ks[4], (B,), 0, V_cate)
    inp['ctx_id'] = jax.random.randint(ks[5], (B,), 0, V_ctx)
    inp['mask'] = jnp.ones((B, L), dtype=jnp.float32)
    inp['E_user'] = jax.random.normal(ks[6], (V_user, D), dtype=jnp.float32) * 0.02
    inp['E_item'] = jax.random.normal(ks[7], (V_item, D), dtype=jnp.float32) * 0.02
    inp['E_cate'] = jax.random.normal(ks[8], (V_cate, D), dtype=jnp.float32) * 0.02
    inp['E_ctx'] = jax.random.normal(ks[9], (V_ctx, D), dtype=jnp.float32) * 0.02
    item_dim = 2 * D  # 64
    inp['W_a1'] = jax.random.normal(ks[10], (4 * item_dim, 36), dtype=jnp.float32) * 0.05
    inp['b_a1'] = jnp.zeros((36,), dtype=jnp.float32)
    inp['alpha_a'] = jnp.zeros((36, 1), dtype=jnp.float32)
    inp['W_a2'] = jax.random.normal(ks[11], (36, 1), dtype=jnp.float32) * 0.05
    inp['b_a2'] = jnp.zeros((1,), dtype=jnp.float32)
    in_dim = D + 2 * item_dim + D  # 192
    inp['W_f1'] = jax.random.normal(ks[12], (in_dim, 200), dtype=jnp.float32) * 0.05
    inp['b_f1'] = jnp.zeros((200,), dtype=jnp.float32)
    inp['alpha_f1'] = jnp.zeros((200,), dtype=jnp.float32)
    inp['W_f2'] = jax.random.normal(ks[13], (200, 80), dtype=jnp.float32) * 0.05
    inp['b_f2'] = jnp.zeros((80,), dtype=jnp.float32)
    inp['alpha_f2'] = jnp.zeros((80,), dtype=jnp.float32)
    inp['W_f3'] = jax.random.normal(ks[14], (80, 2), dtype=jnp.float32) * 0.05
    inp['b_f3'] = jnp.zeros((2,), dtype=jnp.float32)
    return inp

def reference(user_id, beh_item, beh_cate, cand_item, cand_cate, ctx_id, mask,
              E_user, E_item, E_cate, E_ctx,
              W_a1, b_a1, alpha_a, W_a2, b_a2,
              W_f1, b_f1, alpha_f1, W_f2, b_f2, alpha_f2, W_f3, b_f3):
    user_embeds = jnp.take(E_user, user_id, axis=0)                      # [B, 32]
    item_embeds = jnp.concatenate([jnp.take(E_item, beh_item, axis=0),
                                   jnp.take(E_cate, beh_cate, axis=0)], axis=-1)  # [B, L, 64]
    cand_embeds = jnp.concatenate([jnp.take(E_item, cand_item, axis=0),
                                   jnp.take(E_cate, cand_cate, axis=0)], axis=-1)  # [B, 64]
    L = item_embeds.shape[1]
    cand_exp = jnp.broadcast_to(cand_embeds[:, None, :], (cand_embeds.shape[0], L, cand_embeds.shape[1]))
    ctx_embeds = jnp.take(E_ctx, ctx_id, axis=0)                          # [B, 32]
    attn_inputs = jnp.concatenate([item_embeds, cand_exp, cand_exp - item_embeds, cand_exp * item_embeds], axis=-1)  # [B, L, 256]
    h = attn_inputs @ W_a1 + b_a1                                         # [B, L, 36]
    h = dice3(h, alpha_a)
    attn_weights = h @ W_a2 + b_a2                                        # [B, L, 1]
    attn_weights = attn_weights * mask[:, :, None]
    item_pooling = jnp.sum(attn_weights * item_embeds, axis=1)            # [B, 64]
    fc_in = jnp.concatenate([user_embeds, item_pooling, cand_embeds, ctx_embeds], axis=-1)  # [B, 192]
    x = fc_in @ W_f1 + b_f1
    x = dice2(x, alpha_f1)
    x = x @ W_f2 + b_f2
    x = dice2(x, alpha_f2)
    x = x @ W_f3 + b_f3
    return jax.nn.softmax(x, axis=-1)

if __name__ == "__main__":
    import jax
    _d = setup_inputs()
    print(jax.jit(kernel)(*tuple(_d.values())))

</pallas_src>

<mosaic_0001>
#map = affine_map<(d0, d1) -> (0, 0)>
#map1 = affine_map<(d0, d1) -> (0)>
module attributes {stable_mosaic.version = 14 : i64} {
  func.func @k(%arg0: i32, %arg1: i32, %arg2: memref<1015808x32xf32, #tpu.memory_space<hbm>>, %arg3: memref<1000x32xf32, #tpu.memory_space<hbm>>, %arg4: memref<131072x32xf32, #tpu.memory_space<hbm>>, %arg5: memref<1000x32xf32, #tpu.memory_space<hbm>>, %arg6: memref<204800xi32, #tpu.memory_space<hbm>>, %arg7: memref<204800xi32, #tpu.memory_space<hbm>>, %arg8: memref<1024xi32, #tpu.memory_space<hbm>>, %arg9: memref<1024xi32, #tpu.memory_space<hbm>>, %arg10: memref<1024xi32, #tpu.memory_space<hbm>>, %arg11: memref<1024xi32, #tpu.memory_space<hbm>>, %arg12: memref<204800x32xf32, #tpu.memory_space<hbm>>, %arg13: memref<204800x32xf32, #tpu.memory_space<hbm>>, %arg14: memref<1024x32xf32, #tpu.memory_space<hbm>>, %arg15: memref<1024x32xf32, #tpu.memory_space<hbm>>, %arg16: memref<1024x32xf32, #tpu.memory_space<hbm>>, %arg17: memref<1024x32xf32, #tpu.memory_space<hbm>>, %arg18: memref<1600xi32, #tpu.memory_space<vmem>>, %arg19: memref<1600xi32, #tpu.memory_space<vmem>>, %arg20: memref<1600x32xf32, #tpu.memory_space<vmem>>, %arg21: memref<1600x32xf32, #tpu.memory_space<vmem>>, %arg22: memref<32xi32, #tpu.memory_space<vmem>>, %arg23: memref<32x32xf32, #tpu.memory_space<vmem>>, %arg24: memref<!tpu.dma_semaphore, #tpu.memory_space<semaphore_mem>>, %arg25: memref<!tpu.dma_semaphore, #tpu.memory_space<semaphore_mem>>) attributes {dimension_semantics = [#tpu.dimension_semantics<core_parallel>, #tpu.dimension_semantics<subcore_parallel>], iteration_bounds = array<i64: 2, 16>, scalar_prefetch = 0 : i64, scratch_operands = 8 : i64, tpu.core_type = #tpu.core_type<sc_vector_subcore>, window_params = [{transform_indices = #map}, {transform_indices = #map}, {transform_indices = #map}, {transform_indices = #map}, {transform_indices = #map1}, {transform_indices = #map1}, {transform_indices = #map1}, {transform_indices = #map1}, {transform_indices = #map1}, {transform_indices = #map1}, {transform_indices = #map}, {transform_indices = #map}, {transform_indices = #map}, {transform_indices = #map}, {transform_indices = #map}, {transform_indices = #map}]} {
    %mul3A = arith.constant 2 : i32
    %mul3A_0 = arith.muli %arg1, %mul3A : i32
    %add3A = arith.addi %mul3A_0, %arg0 : i32
    %mul3A_1 = arith.constant 6400 : i32
    %mul3A_2 = arith.muli %add3A, %mul3A_1 : i32
    %add3A_3 = arith.constant 0 : i32
    %add3A_4 = arith.addi %mul3A_2, %add3A_3 : i32
    "tpu.region"() ({
      %run_scoped3A = tpu.sem_alloc : memref<!tpu.dma_semaphore, #tpu.memory_space<semaphore_mem>>
      %dma_start3A_163 = tpu.memref_slice %arg6[%add3A_4] : memref<204800xi32, #tpu.memory_space<hbm>> -> memref<1600xi32, #tpu.memory_space<hbm>>
      %dma_start3A_164 = tpu.memref_slice %arg6[%add3A_4] : memref<204800xi32, #tpu.memory_space<hbm>> -> memref<1600xi32, #tpu.memory_space<hbm>>
      tpu.enqueue_dma source(%dma_start3A_164 : memref<1600xi32, #tpu.memory_space<hbm>>) target(%arg18 : memref<1600xi32, #tpu.memory_space<vmem>>) target_semaphore(%run_scoped3A : memref<!tpu.dma_semaphore, #tpu.memory_space<semaphore_mem>>)
      %dma_wait3A_165 = tpu.memref_slice %arg6[%add3A_4] : memref<204800xi32, #tpu.memory_space<hbm>> -> memref<1600xi32, #tpu.memory_space<hbm>>
      %dma_wait3A_166 = tpu.memref_slice %arg6[%add3A_4] : memref<204800xi32, #tpu.memory_space<hbm>> -> memref<1600xi32, #tpu.memory_space<hbm>>
      tpu.wait_dma2 semaphore(%run_scoped3A : memref<!tpu.dma_semaphore, #tpu.memory_space<semaphore_mem>>) src(%dma_wait3A_166 : memref<1600xi32, #tpu.memory_space<hbm>>) dst(%arg18 : memref<1600xi32, #tpu.memory_space<vmem>>)
      tpu.yield
    }) : () -> ()
    %dma_start3A = arith.constant 0 : i32
    %dma_start3A_5 = arith.constant 0 : i32
    %dma_start3A_6 = tpu.memref_slice %arg2[%dma_start3A, %dma_start3A_5] : memref<1015808x32xf32, #tpu.memory_space<hbm>> -> memref<1015808x32xf32, #tpu.memory_space<hbm>>
    tpu.enqueue_indirect_dma source(%dma_start3A_6 : memref<1015808x32xf32, #tpu.memory_space<hbm>>) target(%arg20 : memref<1600x32xf32, #tpu.memory_space<vmem>>) offsets(%arg18 : memref<1600xi32, #tpu.memory_space<vmem>>) semaphore(%arg24 : memref<!tpu.dma_semaphore, #tpu.memory_space<semaphore_mem>>)
    %dma_wait3A = arith.constant 0 : i32
    %dma_wait3A_7 = arith.constant 0 : i32
    %dma_wait3A_8 = tpu.memref_slice %arg2[%dma_wait3A, %dma_wait3A_7] : memref<1015808x32xf32, #tpu.memory_space<hbm>> -> memref<1015808x32xf32, #tpu.memory_space<hbm>>
    tpu.wait_indirect_dma semaphore(%arg24 : memref<!tpu.dma_semaphore, #tpu.memory_space<semaphore_mem>>) src(%dma_wait3A_8 : memref<1015808x32xf32, #tpu.memory_space<hbm>>) dst(%arg20 : memref<1600x32xf32, #tpu.memory_space<vmem>>)
    %dma_start3A_9 = arith.constant 0 : i32
    %dma_start3A_10 = tpu.memref_slice %arg12[%add3A_4, %dma_start3A_9] : memref<204800x32xf32, #tpu.memory_space<hbm>> -> memref<1600x32xf32, #tpu.memory_space<hbm>>
    %dma_start3A_11 = arith.constant 0 : i32
    %dma_start3A_12 = tpu.memref_slice %arg12[%add3A_4, %dma_start3A_11] : memref<204800x32xf32, #tpu.memory_space<hbm>> -> memref<1600x32xf32, #tpu.memory_space<hbm>>
    tpu.enqueue_dma source(%arg20 : memref<1600x32xf32, #tpu.memory_space<vmem>>) target(%dma_start3A_12 : memref<1600x32xf32, #tpu.memory_space<hbm>>) target_semaphore(%arg25 : memref<!tpu.dma_semaphore, #tpu.memory_space<semaphore_mem>>)
    %add3A_13 = arith.constant 1600 : i32
    %add3A_14 = arith.addi %mul3A_2, %add3A_13 : i32
    "tpu.region"() ({
      %run_scoped3A = tpu.sem_alloc : memref<!tpu.dma_semaphore, #tpu.memory_space<semaphore_mem>>
      %dma_start3A_163 = tpu.memref_slice %arg6[%add3A_14] : memref<204800xi32, #tpu.memory_space<hbm>> -> memref<1600xi32, #tpu.memory_space<hbm>>
      %dma_start3A_164 = tpu.memref_slice %arg6[%add3A_14] : memref<204800xi32, #tpu.memory_space<hbm>> -> memref<1600xi32, #tpu.memory_space<hbm>>
      tpu.enqueue_dma source(%dma_start3A_164 : memref<1600xi32, #tpu.memory_space<hbm>>) target(%arg19 : memref<1600xi32, #tpu.memory_space<vmem>>) target_semaphore(%run_scoped3A : memref<!tpu.dma_semaphore, #tpu.memory_space<semaphore_mem>>)
      %dma_wait3A_165 = tpu.memref_slice %arg6[%add3A_14] : memref<204800xi32, #tpu.memory_space<hbm>> -> memref<1600xi32, #tpu.memory_space<hbm>>
      %dma_wait3A_166 = tpu.memref_slice %arg6[%add3A_14] : memref<204800xi32, #tpu.memory_space<hbm>> -> memref<1600xi32, #tpu.memory_space<hbm>>
      tpu.wait_dma2 semaphore(%run_scoped3A : memref<!tpu.dma_semaphore, #tpu.memory_space<semaphore_mem>>) src(%dma_wait3A_166 : memref<1600xi32, #tpu.memory_space<hbm>>) dst(%arg19 : memref<1600xi32, #tpu.memory_space<vmem>>)
      tpu.yield
    }) : () -> ()
    %dma_start3A_15 = arith.constant 0 : i32
    %dma_start3A_16 = arith.constant 0 : i32
    %dma_start3A_17 = tpu.memref_slice %arg2[%dma_start3A_15, %dma_start3A_16] : memref<1015808x32xf32, #tpu.memory_space<hbm>> -> memref<1015808x32xf32, #tpu.memory_space<hbm>>
    tpu.enqueue_indirect_dma source(%dma_start3A_17 : memref<1015808x32xf32, #tpu.memory_space<hbm>>) target(%arg21 : memref<1600x32xf32, #tpu.memory_space<vmem>>) offsets(%arg19 : memref<1600xi32, #tpu.memory_space<vmem>>) semaphore(%arg24 : memref<!tpu.dma_semaphore, #tpu.memory_space<semaphore_mem>>)
    %dma_wait3A_18 = arith.constant 0 : i32
    %dma_wait3A_19 = tpu.memref_slice %arg12[%add3A_4, %dma_wait3A_18] : memref<204800x32xf32, #tpu.memory_space<hbm>> -> memref<1600x32xf32, #tpu.memory_space<hbm>>
    %dma_wait3A_20 = arith.constant 0 : i32
    %dma_wait3A_21 = tpu.memref_slice %arg12[%add3A_4, %dma_wait3A_20] : memref<204800x32xf32, #tpu.memory_space<hbm>> -> memref<1600x32xf32, #tpu.memory_space<hbm>>
    tpu.wait_dma2 semaphore(%arg25 : memref<!tpu.dma_semaphore, #tpu.memory_space<semaphore_mem>>) src(%arg20 : memref<1600x32xf32, #tpu.memory_space<vmem>>) dst(%dma_wait3A_21 : memref<1600x32xf32, #tpu.memory_space<hbm>>)
    %dma_wait3A_22 = arith.constant 0 : i32
    %dma_wait3A_23 = arith.constant 0 : i32
    %dma_wait3A_24 = tpu.memref_slice %arg2[%dma_wait3A_22, %dma_wait3A_23] : memref<1015808x32xf32, #tpu.memory_space<hbm>> -> memref<1015808x32xf32, #tpu.memory_space<hbm>>
    tpu.wait_indirect_dma semaphore(%arg24 : memref<!tpu.dma_semaphore, #tpu.memory_space<semaphore_mem>>) src(%dma_wait3A_24 : memref<1015808x32xf32, #tpu.memory_space<hbm>>) dst(%arg21 : memref<1600x32xf32, #tpu.memory_space<vmem>>)
    %dma_start3A_25 = arith.constant 0 : i32
    %dma_start3A_26 = tpu.memref_slice %arg12[%add3A_14, %dma_start3A_25] : memref<204800x32xf32, #tpu.memory_space<hbm>> -> memref<1600x32xf32, #tpu.memory_space<hbm>>
    %dma_start3A_27 = arith.constant 0 : i32
    %dma_start3A_28 = tpu.memref_slice %arg12[%add3A_14, %dma_start3A_27] : memref<204800x32xf32, #tpu.memory_space<hbm>> -> memref<1600x32xf32, #tpu.memory_space<hbm>>
    tpu.enqueue_dma source(%arg21 : memref<1600x32xf32, #tpu.memory_space<vmem>>) target(%dma_start3A_28 : memref<1600x32xf32, #tpu.memory_space<hbm>>) target_semaphore(%arg25 : memref<!tpu.dma_semaphore, #tpu.memory_space<semaphore_mem>>)
    %add3A_29 = arith.constant 3200 : i32
    %add3A_30 = arith.addi %mul3A_2, %add3A_29 : i32
    "tpu.region"() ({
      %run_scoped3A = tpu.sem_alloc : memref<!tpu.dma_semaphore, #tpu.memory_space<semaphore_mem>>
      %dma_start3A_163 = tpu.memref_slice %arg6[%add3A_30] : memref<204800xi32, #tpu.memory_space<hbm>> -> memref<1600xi32, #tpu.memory_space<hbm>>
      %dma_start3A_164 = tpu.memref_slice %arg6[%add3A_30] : memref<204800xi32, #tpu.memory_space<hbm>> -> memref<1600xi32, #tpu.memory_space<hbm>>
      tpu.enqueue_dma source(%dma_start3A_164 : memref<1600xi32, #tpu.memory_space<hbm>>) target(%arg18 : memref<1600xi32, #tpu.memory_space<vmem>>) target_semaphore(%run_scoped3A : memref<!tpu.dma_semaphore, #tpu.memory_space<semaphore_mem>>)
      %dma_wait3A_165 = tpu.memref_slice %arg6[%add3A_30] : memref<204800xi32, #tpu.memory_space<hbm>> -> memref<1600xi32, #tpu.memory_space<hbm>>
      %dma_wait3A_166 = tpu.memref_slice %arg6[%add3A_30] : memref<204800xi32, #tpu.memory_space<hbm>> -> memref<1600xi32, #tpu.memory_space<hbm>>
      tpu.wait_dma2 semaphore(%run_scoped3A : memref<!tpu.dma_semaphore, #tpu.memory_space<semaphore_mem>>) src(%dma_wait3A_166 : memref<1600xi32, #tpu.memory_space<hbm>>) dst(%arg18 : memref<1600xi32, #tpu.memory_space<vmem>>)
      tpu.yield
    }) : () -> ()
    %dma_start3A_31 = arith.constant 0 : i32
    %dma_start3A_32 = arith.constant 0 : i32
    %dma_start3A_33 = tpu.memref_slice %arg2[%dma_start3A_31, %dma_start3A_32] : memref<1015808x32xf32, #tpu.memory_space<hbm>> -> memref<1015808x32xf32, #tpu.memory_space<hbm>>
    tpu.enqueue_indirect_dma source(%dma_start3A_33 : memref<1015808x32xf32, #tpu.memory_space<hbm>>) target(%arg20 : memref<1600x32xf32, #tpu.memory_space<vmem>>) offsets(%arg18 : memref<1600xi32, #tpu.memory_space<vmem>>) semaphore(%arg24 : memref<!tpu.dma_semaphore, #tpu.memory_space<semaphore_mem>>)
    %dma_wait3A_34 = arith.constant 0 : i32
    %dma_wait3A_35 = tpu.memref_slice %arg12[%add3A_14, %dma_wait3A_34] : memref<204800x32xf32, #tpu.memory_space<hbm>> -> memref<1600x32xf32, #tpu.memory_space<hbm>>
    %dma_wait3A_36 = arith.constant 0 : i32
    %dma_wait3A_37 = tpu.memref_slice %arg12[%add3A_14, %dma_wait3A_36] : memref<204800x32xf32, #tpu.memory_space<hbm>> -> memref<1600x32xf32, #tpu.memory_space<hbm>>
    tpu.wait_dma2 semaphore(%arg25 : memref<!tpu.dma_semaphore, #tpu.memory_space<semaphore_mem>>) src(%arg21 : memref<1600x32xf32, #tpu.memory_space<vmem>>) dst(%dma_wait3A_37 : memref<1600x32xf32, #tpu.memory_space<hbm>>)
    %dma_wait3A_38 = arith.constant 0 : i32
    %dma_wait3A_39 = arith.constant 0 : i32
    %dma_wait3A_40 = tpu.memref_slice %arg2[%dma_wait3A_38, %dma_wait3A_39] : memref<1015808x32xf32, #tpu.memory_space<hbm>> -> memref<1015808x32xf32, #tpu.memory_space<hbm>>
    tpu.wait_indirect_dma semaphore(%arg24 : memref<!tpu.dma_semaphore, #tpu.memory_space<semaphore_mem>>) src(%dma_wait3A_40 : memref<1015808x32xf32, #tpu.memory_space<hbm>>) dst(%arg20 : memref<1600x32xf32, #tpu.memory_space<vmem>>)
    %dma_start3A_41 = arith.constant 0 : i32
    %dma_start3A_42 = tpu.memref_slice %arg12[%add3A_30, %dma_start3A_41] : memref<204800x32xf32, #tpu.memory_space<hbm>> -> memref<1600x32xf32, #tpu.memory_space<hbm>>
    %dma_start3A_43 = arith.constant 0 : i32
    %dma_start3A_44 = tpu.memref_slice %arg12[%add3A_30, %dma_start3A_43] : memref<204800x32xf32, #tpu.memory_space<hbm>> -> memref<1600x32xf32, #tpu.memory_space<hbm>>
    tpu.enqueue_dma source(%arg20 : memref<1600x32xf32, #tpu.memory_space<vmem>>) target(%dma_start3A_44 : memref<1600x32xf32, #tpu.memory_space<hbm>>) target_semaphore(%arg25 : memref<!tpu.dma_semaphore, #tpu.memory_space<semaphore_mem>>)
    %add3A_45 = arith.constant 4800 : i32
    %add3A_46 = arith.addi %mul3A_2, %add3A_45 : i32
    "tpu.region"() ({
      %run_scoped3A = tpu.sem_alloc : memref<!tpu.dma_semaphore, #tpu.memory_space<semaphore_mem>>
      %dma_start3A_163 = tpu.memref_slice %arg6[%add3A_46] : memref<204800xi32, #tpu.memory_space<hbm>> -> memref<1600xi32, #tpu.memory_space<hbm>>
      %dma_start3A_164 = tpu.memref_slice %arg6[%add3A_46] : memref<204800xi32, #tpu.memory_space<hbm>> -> memref<1600xi32, #tpu.memory_space<hbm>>
      tpu.enqueue_dma source(%dma_start3A_164 : memref<1600xi32, #tpu.memory_space<hbm>>) target(%arg19 : memref<1600xi32, #tpu.memory_space<vmem>>) target_semaphore(%run_scoped3A : memref<!tpu.dma_semaphore, #tpu.memory_space<semaphore_mem>>)
      %dma_wait3A_165 = tpu.memref_slice %arg6[%add3A_46] : memref<204800xi32, #tpu.memory_space<hbm>> -> memref<1600xi32, #tpu.memory_space<hbm>>
      %dma_wait3A_166 = tpu.memref_slice %arg6[%add3A_46] : memref<204800xi32, #tpu.memory_space<hbm>> -> memref<1600xi32, #tpu.memory_space<hbm>>
      tpu.wait_dma2 semaphore(%run_scoped3A : memref<!tpu.dma_semaphore, #tpu.memory_space<semaphore_mem>>) src(%dma_wait3A_166 : memref<1600xi32, #tpu.memory_space<hbm>>) dst(%arg19 : memref<1600xi32, #tpu.memory_space<vmem>>)
      tpu.yield
    }) : () -> ()
    %dma_start3A_47 = arith.constant 0 : i32
    %dma_start3A_48 = arith.constant 0 : i32
    %dma_start3A_49 = tpu.memref_slice %arg2[%dma_start3A_47, %dma_start3A_48] : memref<1015808x32xf32, #tpu.memory_space<hbm>> -> memref<1015808x32xf32, #tpu.memory_space<hbm>>
    tpu.enqueue_indirect_dma source(%dma_start3A_49 : memref<1015808x32xf32, #tpu.memory_space<hbm>>) target(%arg21 : memref<1600x32xf32, #tpu.memory_space<vmem>>) offsets(%arg19 : memref<1600xi32, #tpu.memory_space<vmem>>) semaphore(%arg24 : memref<!tpu.dma_semaphore, #tpu.memory_space<semaphore_mem>>)
    %dma_wait3A_50 = arith.constant 0 : i32
    %dma_wait3A_51 = tpu.memref_slice %arg12[%add3A_30, %dma_wait3A_50] : memref<204800x32xf32, #tpu.memory_space<hbm>> -> memref<1600x32xf32, #tpu.memory_space<hbm>>
    %dma_wait3A_52 = arith.constant 0 : i32
    %dma_wait3A_53 = tpu.memref_slice %arg12[%add3A_30, %dma_wait3A_52] : memref<204800x32xf32, #tpu.memory_space<hbm>> -> memref<1600x32xf32, #tpu.memory_space<hbm>>
    tpu.wait_dma2 semaphore(%arg25 : memref<!tpu.dma_semaphore, #tpu.memory_space<semaphore_mem>>) src(%arg20 : memref<1600x32xf32, #tpu.memory_space<vmem>>) dst(%dma_wait3A_53 : memref<1600x32xf32, #tpu.memory_space<hbm>>)
    %dma_wait3A_54 = arith.constant 0 : i32
    %dma_wait3A_55 = arith.constant 0 : i32
    %dma_wait3A_56 = tpu.memref_slice %arg2[%dma_wait3A_54, %dma_wait3A_55] : memref<1015808x32xf32, #tpu.memory_space<hbm>> -> memref<1015808x32xf32, #tpu.memory_space<hbm>>
    tpu.wait_indirect_dma semaphore(%arg24 : memref<!tpu.dma_semaphore, #tpu.memory_space<semaphore_mem>>) src(%dma_wait3A_56 : memref<1015808x32xf32, #tpu.memory_space<hbm>>) dst(%arg21 : memref<1600x32xf32, #tpu.memory_space<vmem>>)
    %dma_start3A_57 = arith.constant 0 : i32
    %dma_start3A_58 = tpu.memref_slice %arg12[%add3A_46, %dma_start3A_57] : memref<204800x32xf32, #tpu.memory_space<hbm>> -> memref<1600x32xf32, #tpu.memory_space<hbm>>
    %dma_start3A_59 = arith.constant 0 : i32
    %dma_start3A_60 = tpu.memref_slice %arg12[%add3A_46, %dma_start3A_59] : memref<204800x32xf32, #tpu.memory_space<hbm>> -> memref<1600x32xf32, #tpu.memory_space<hbm>>
    tpu.enqueue_dma source(%arg21 : memref<1600x32xf32, #tpu.memory_space<vmem>>) target(%dma_start3A_60 : memref<1600x32xf32, #tpu.memory_space<hbm>>) target_semaphore(%arg25 : memref<!tpu.dma_semaphore, #tpu.memory_space<semaphore_mem>>)
    %mul3A_61 = arith.constant 6400 : i32
    %mul3A_62 = arith.muli %add3A, %mul3A_61 : i32
    %add3A_63 = arith.constant 0 : i32
    %add3A_64 = arith.addi %mul3A_62, %add3A_63 : i32
    "tpu.region"() ({
      %run_scoped3A = tpu.sem_alloc : memref<!tpu.dma_semaphore, #tpu.memory_space<semaphore_mem>>
      %dma_start3A_163 = tpu.memref_slice %arg7[%add3A_64] : memref<204800xi32, #tpu.memory_space<hbm>> -> memref<1600xi32, #tpu.memory_space<hbm>>
      %dma_start3A_164 = tpu.memref_slice %arg7[%add3A_64] : memref<204800xi32, #tpu.memory_space<hbm>> -> memref<1600xi32, #tpu.memory_space<hbm>>
      tpu.enqueue_dma source(%dma_start3A_164 : memref<1600xi32, #tpu.memory_space<hbm>>) target(%arg18 : memref<1600xi32, #tpu.memory_space<vmem>>) target_semaphore(%run_scoped3A : memref<!tpu.dma_semaphore, #tpu.memory_space<semaphore_mem>>)
      %dma_wait3A_165 = tpu.memref_slice %arg7[%add3A_64] : memref<204800xi32, #tpu.memory_space<hbm>> -> memref<1600xi32, #tpu.memory_space<hbm>>
      %dma_wait3A_166 = tpu.memref_slice %arg7[%add3A_64] : memref<204800xi32, #tpu.memory_space<hbm>> -> memref<1600xi32, #tpu.memory_space<hbm>>
      tpu.wait_dma2 semaphore(%run_scoped3A : memref<!tpu.dma_semaphore, #tpu.memory_space<semaphore_mem>>) src(%dma_wait3A_166 : memref<1600xi32, #tpu.memory_space<hbm>>) dst(%arg18 : memref<1600xi32, #tpu.memory_space<vmem>>)
      tpu.yield
    }) : () -> ()
    %dma_start3A_65 = arith.constant 0 : i32
    %dma_start3A_66 = arith.constant 0 : i32
    %dma_start3A_67 = tpu.memref_slice %arg3[%dma_start3A_65, %dma_start3A_66] : memref<1000x32xf32, #tpu.memory_space<hbm>> -> memref<1000x32xf32, #tpu.memory_space<hbm>>
    tpu.enqueue_indirect_dma source(%dma_start3A_67 : memref<1000x32xf32, #tpu.memory_space<hbm>>) target(%arg20 : memref<1600x32xf32, #tpu.memory_space<vmem>>) offsets(%arg18 : memref<1600xi32, #tpu.memory_space<vmem>>) semaphore(%arg24 : memref<!tpu.dma_semaphore, #tpu.memory_space<semaphore_mem>>)
    %dma_wait3A_68 = arith.constant 0 : i32
    %dma_wait3A_69 = tpu.memref_slice %arg12[%add3A_46, %dma_wait3A_68] : memref<204800x32xf32, #tpu.memory_space<hbm>> -> memref<1600x32xf32, #tpu.memory_space<hbm>>
    %dma_wait3A_70 = arith.constant 0 : i32
    %dma_wait3A_71 = tpu.memref_slice %arg12[%add3A_46, %dma_wait3A_70] : memref<204800x32xf32, #tpu.memory_space<hbm>> -> memref<1600x32xf32, #tpu.memory_space<hbm>>
    tpu.wait_dma2 semaphore(%arg25 : memref<!tpu.dma_semaphore, #tpu.memory_space<semaphore_mem>>) src(%arg21 : memref<1600x32xf32, #tpu.memory_space<vmem>>) dst(%dma_wait3A_71 : memref<1600x32xf32, #tpu.memory_space<hbm>>)
    %dma_wait3A_72 = arith.constant 0 : i32
    %dma_wait3A_73 = arith.constant 0 : i32
    %dma_wait3A_74 = tpu.memref_slice %arg3[%dma_wait3A_72, %dma_wait3A_73] : memref<1000x32xf32, #tpu.memory_space<hbm>> -> memref<1000x32xf32, #tpu.memory_space<hbm>>
    tpu.wait_indirect_dma semaphore(%arg24 : memref<!tpu.dma_semaphore, #tpu.memory_space<semaphore_mem>>) src(%dma_wait3A_74 : memref<1000x32xf32, #tpu.memory_space<hbm>>) dst(%arg20 : memref<1600x32xf32, #tpu.memory_space<vmem>>)
    %dma_start3A_75 = arith.constant 0 : i32
    %dma_start3A_76 = tpu.memref_slice %arg13[%add3A_64, %dma_start3A_75] : memref<204800x32xf32, #tpu.memory_space<hbm>> -> memref<1600x32xf32, #tpu.memory_space<hbm>>
    %dma_start3A_77 = arith.constant 0 : i32
    %dma_start3A_78 = tpu.memref_slice %arg13[%add3A_64, %dma_start3A_77] : memref<204800x32xf32, #tpu.memory_space<hbm>> -> memref<1600x32xf32, #tpu.memory_space<hbm>>
    tpu.enqueue_dma source(%arg20 : memref<1600x32xf32, #tpu.memory_space<vmem>>) target(%dma_start3A_78 : memref<1600x32xf32, #tpu.memory_space<hbm>>) target_semaphore(%arg25 : memref<!tpu.dma_semaphore, #tpu.memory_space<semaphore_mem>>)
    %add3A_79 = arith.constant 1600 : i32
    %add3A_80 = arith.addi %mul3A_62, %add3A_79 : i32
    "tpu.region"() ({
      %run_scoped3A = tpu.sem_alloc : memref<!tpu.dma_semaphore, #tpu.memory_space<semaphore_mem>>
      %dma_start3A_163 = tpu.memref_slice %arg7[%add3A_80] : memref<204800xi32, #tpu.memory_space<hbm>> -> memref<1600xi32, #tpu.memory_space<hbm>>
      %dma_start3A_164 = tpu.memref_slice %arg7[%add3A_80] : memref<204800xi32, #tpu.memory_space<hbm>> -> memref<1600xi32, #tpu.memory_space<hbm>>
      tpu.enqueue_dma source(%dma_start3A_164 : memref<1600xi32, #tpu.memory_space<hbm>>) target(%arg19 : memref<1600xi32, #tpu.memory_space<vmem>>) target_semaphore(%run_scoped3A : memref<!tpu.dma_semaphore, #tpu.memory_space<semaphore_mem>>)
      %dma_wait3A_165 = tpu.memref_slice %arg7[%add3A_80] : memref<204800xi32, #tpu.memory_space<hbm>> -> memref<1600xi32, #tpu.memory_space<hbm>>
      %dma_wait3A_166 = tpu.memref_slice %arg7[%add3A_80] : memref<204800xi32, #tpu.memory_space<hbm>> -> memref<1600xi32, #tpu.memory_space<hbm>>
      tpu.wait_dma2 semaphore(%run_scoped3A : memref<!tpu.dma_semaphore, #tpu.memory_space<semaphore_mem>>) src(%dma_wait3A_166 : memref<1600xi32, #tpu.memory_space<hbm>>) dst(%arg19 : memref<1600xi32, #tpu.memory_space<vmem>>)
      tpu.yield
    }) : () -> ()
    %dma_start3A_81 = arith.constant 0 : i32
    %dma_start3A_82 = arith.constant 0 : i32
    %dma_start3A_83 = tpu.memref_slice %arg3[%dma_start3A_81, %dma_start3A_82] : memref<1000x32xf32, #tpu.memory_space<hbm>> -> memref<1000x32xf32, #tpu.memory_space<hbm>>
    tpu.enqueue_indirect_dma source(%dma_start3A_83 : memref<1000x32xf32, #tpu.memory_space<hbm>>) target(%arg21 : memref<1600x32xf32, #tpu.memory_space<vmem>>) offsets(%arg19 : memref<1600xi32, #tpu.memory_space<vmem>>) semaphore(%arg24 : memref<!tpu.dma_semaphore, #tpu.memory_space<semaphore_mem>>)
    %dma_wait3A_84 = arith.constant 0 : i32
    %dma_wait3A_85 = tpu.memref_slice %arg13[%add3A_64, %dma_wait3A_84] : memref<204800x32xf32, #tpu.memory_space<hbm>> -> memref<1600x32xf32, #tpu.memory_space<hbm>>
    %dma_wait3A_86 = arith.constant 0 : i32
    %dma_wait3A_87 = tpu.memref_slice %arg13[%add3A_64, %dma_wait3A_86] : memref<204800x32xf32, #tpu.memory_space<hbm>> -> memref<1600x32xf32, #tpu.memory_space<hbm>>
    tpu.wait_dma2 semaphore(%arg25 : memref<!tpu.dma_semaphore, #tpu.memory_space<semaphore_mem>>) src(%arg20 : memref<1600x32xf32, #tpu.memory_space<vmem>>) dst(%dma_wait3A_87 : memref<1600x32xf32, #tpu.memory_space<hbm>>)
    %dma_wait3A_88 = arith.constant 0 : i32
    %dma_wait3A_89 = arith.constant 0 : i32
    %dma_wait3A_90 = tpu.memref_slice %arg3[%dma_wait3A_88, %dma_wait3A_89] : memref<1000x32xf32, #tpu.memory_space<hbm>> -> memref<1000x32xf32, #tpu.memory_space<hbm>>
    tpu.wait_indirect_dma semaphore(%arg24 : memref<!tpu.dma_semaphore, #tpu.memory_space<semaphore_mem>>) src(%dma_wait3A_90 : memref<1000x32xf32, #tpu.memory_space<hbm>>) dst(%arg21 : memref<1600x32xf32, #tpu.memory_space<vmem>>)
    %dma_start3A_91 = arith.constant 0 : i32
    %dma_start3A_92 = tpu.memref_slice %arg13[%add3A_80, %dma_start3A_91] : memref<204800x32xf32, #tpu.memory_space<hbm>> -> memref<1600x32xf32, #tpu.memory_space<hbm>>
    %dma_start3A_93 = arith.constant 0 : i32
    %dma_start3A_94 = tpu.memref_slice %arg13[%add3A_80, %dma_start3A_93] : memref<204800x32xf32, #tpu.memory_space<hbm>> -> memref<1600x32xf32, #tpu.memory_space<hbm>>
    tpu.enqueue_dma source(%arg21 : memref<1600x32xf32, #tpu.memory_space<vmem>>) target(%dma_start3A_94 : memref<1600x32xf32, #tpu.memory_space<hbm>>) target_semaphore(%arg25 : memref<!tpu.dma_semaphore, #tpu.memory_space<semaphore_mem>>)
    %add3A_95 = arith.constant 3200 : i32
    %add3A_96 = arith.addi %mul3A_62, %add3A_95 : i32
    "tpu.region"() ({
      %run_scoped3A = tpu.sem_alloc : memref<!tpu.dma_semaphore, #tpu.memory_space<semaphore_mem>>
      %dma_start3A_163 = tpu.memref_slice %arg7[%add3A_96] : memref<204800xi32, #tpu.memory_space<hbm>> -> memref<1600xi32, #tpu.memory_space<hbm>>
      %dma_start3A_164 = tpu.memref_slice %arg7[%add3A_96] : memref<204800xi32, #tpu.memory_space<hbm>> -> memref<1600xi32, #tpu.memory_space<hbm>>
      tpu.enqueue_dma source(%dma_start3A_164 : memref<1600xi32, #tpu.memory_space<hbm>>) target(%arg18 : memref<1600xi32, #tpu.memory_space<vmem>>) target_semaphore(%run_scoped3A : memref<!tpu.dma_semaphore, #tpu.memory_space<semaphore_mem>>)
      %dma_wait3A_165 = tpu.memref_slice %arg7[%add3A_96] : memref<204800xi32, #tpu.memory_space<hbm>> -> memref<1600xi32, #tpu.memory_space<hbm>>
      %dma_wait3A_166 = tpu.memref_slice %arg7[%add3A_96] : memref<204800xi32, #tpu.memory_space<hbm>> -> memref<1600xi32, #tpu.memory_space<hbm>>
      tpu.wait_dma2 semaphore(%run_scoped3A : memref<!tpu.dma_semaphore, #tpu.memory_space<semaphore_mem>>) src(%dma_wait3A_166 : memref<1600xi32, #tpu.memory_space<hbm>>) dst(%arg18 : memref<1600xi32, #tpu.memory_space<vmem>>)
      tpu.yield
    }) : () -> ()
    %dma_start3A_97 = arith.constant 0 : i32
    %dma_start3A_98 = arith.constant 0 : i32
    %dma_start3A_99 = tpu.memref_slice %arg3[%dma_start3A_97, %dma_start3A_98] : memref<1000x32xf32, #tpu.memory_space<hbm>> -> memref<1000x32xf32, #tpu.memory_space<hbm>>
    tpu.enqueue_indirect_dma source(%dma_start3A_99 : memref<1000x32xf32, #tpu.memory_space<hbm>>) target(%arg20 : memref<1600x32xf32, #tpu.memory_space<vmem>>) offsets(%arg18 : memref<1600xi32, #tpu.memory_space<vmem>>) semaphore(%arg24 : memref<!tpu.dma_semaphore, #tpu.memory_space<semaphore_mem>>)
    %dma_wait3A_100 = arith.constant 0 : i32
    %dma_wait3A_101 = tpu.memref_slice %arg13[%add3A_80, %dma_wait3A_100] : memref<204800x32xf32, #tpu.memory_space<hbm>> -> memref<1600x32xf32, #tpu.memory_space<hbm>>
    %dma_wait3A_102 = arith.constant 0 : i32
    %dma_wait3A_103 = tpu.memref_slice %arg13[%add3A_80, %dma_wait3A_102] : memref<204800x32xf32, #tpu.memory_space<hbm>> -> memref<1600x32xf32, #tpu.memory_space<hbm>>
    tpu.wait_dma2 semaphore(%arg25 : memref<!tpu.dma_semaphore, #tpu.memory_space<semaphore_mem>>) src(%arg21 : memref<1600x32xf32, #tpu.memory_space<vmem>>) dst(%dma_wait3A_103 : memref<1600x32xf32, #tpu.memory_space<hbm>>)
    %dma_wait3A_104 = arith.constant 0 : i32
    %dma_wait3A_105 = arith.constant 0 : i32
    %dma_wait3A_106 = tpu.memref_slice %arg3[%dma_wait3A_104, %dma_wait3A_105] : memref<1000x32xf32, #tpu.memory_space<hbm>> -> memref<1000x32xf32, #tpu.memory_space<hbm>>
    tpu.wait_indirect_dma semaphore(%arg24 : memref<!tpu.dma_semaphore, #tpu.memory_space<semaphore_mem>>) src(%dma_wait3A_106 : memref<1000x32xf32, #tpu.memory_space<hbm>>) dst(%arg20 : memref<1600x32xf32, #tpu.memory_space<vmem>>)
    %dma_start3A_107 = arith.constant 0 : i32
    %dma_start3A_108 = tpu.memref_slice %arg13[%add3A_96, %dma_start3A_107] : memref<204800x32xf32, #tpu.memory_space<hbm>> -> memref<1600x32xf32, #tpu.memory_space<hbm>>
    %dma_start3A_109 = arith.constant 0 : i32
    %dma_start3A_110 = tpu.memref_slice %arg13[%add3A_96, %dma_start3A_109] : memref<204800x32xf32, #tpu.memory_space<hbm>> -> memref<1600x32xf32, #tpu.memory_space<hbm>>
    tpu.enqueue_dma source(%arg20 : memref<1600x32xf32, #tpu.memory_space<vmem>>) target(%dma_start3A_110 : memref<1600x32xf32, #tpu.memory_space<hbm>>) target_semaphore(%arg25 : memref<!tpu.dma_semaphore, #tpu.memory_space<semaphore_mem>>)
    %add3A_111 = arith.constant 4800 : i32
    %add3A_112 = arith.addi %mul3A_62, %add3A_111 : i32
    "tpu.region"() ({
      %run_scoped3A = tpu.sem_alloc : memref<!tpu.dma_semaphore, #tpu.memory_space<semaphore_mem>>
      %dma_start3A_163 = tpu.memref_slice %arg7[%add3A_112] : memref<204800xi32, #tpu.memory_space<hbm>> -> memref<1600xi32, #tpu.memory_space<hbm>>
      %dma_start3A_164 = tpu.memref_slice %arg7[%add3A_112] : memref<204800xi32, #tpu.memory_space<hbm>> -> memref<1600xi32, #tpu.memory_space<hbm>>
      tpu.enqueue_dma source(%dma_start3A_164 : memref<1600xi32, #tpu.memory_space<hbm>>) target(%arg19 : memref<1600xi32, #tpu.memory_space<vmem>>) target_semaphore(%run_scoped3A : memref<!tpu.dma_semaphore, #tpu.memory_space<semaphore_mem>>)
      %dma_wait3A_165 = tpu.memref_slice %arg7[%add3A_112] : memref<204800xi32, #tpu.memory_space<hbm>> -> memref<1600xi32, #tpu.memory_space<hbm>>
      %dma_wait3A_166 = tpu.memref_slice %arg7[%add3A_112] : memref<204800xi32, #tpu.memory_space<hbm>> -> memref<1600xi32, #tpu.memory_space<hbm>>
      tpu.wait_dma2 semaphore(%run_scoped3A : memref<!tpu.dma_semaphore, #tpu.memory_space<semaphore_mem>>) src(%dma_wait3A_166 : memref<1600xi32, #tpu.memory_space<hbm>>) dst(%arg19 : memref<1600xi32, #tpu.memory_space<vmem>>)
      tpu.yield
    }) : () -> ()
    %dma_start3A_113 = arith.constant 0 : i32
    %dma_start3A_114 = arith.constant 0 : i32
    %dma_start3A_115 = tpu.memref_slice %arg3[%dma_start3A_113, %dma_start3A_114] : memref<1000x32xf32, #tpu.memory_space<hbm>> -> memref<1000x32xf32, #tpu.memory_space<hbm>>
    tpu.enqueue_indirect_dma source(%dma_start3A_115 : memref<1000x32xf32, #tpu.memory_space<hbm>>) target(%arg21 : memref<1600x32xf32, #tpu.memory_space<vmem>>) offsets(%arg19 : memref<1600xi32, #tpu.memory_space<vmem>>) semaphore(%arg24 : memref<!tpu.dma_semaphore, #tpu.memory_space<semaphore_mem>>)
    %dma_wait3A_116 = arith.constant 0 : i32
    %dma_wait3A_117 = tpu.memref_slice %arg13[%add3A_96, %dma_wait3A_116] : memref<204800x32xf32, #tpu.memory_space<hbm>> -> memref<1600x32xf32, #tpu.memory_space<hbm>>
    %dma_wait3A_118 = arith.constant 0 : i32
    %dma_wait3A_119 = tpu.memref_slice %arg13[%add3A_96, %dma_wait3A_118] : memref<204800x32xf32, #tpu.memory_space<hbm>> -> memref<1600x32xf32, #tpu.memory_space<hbm>>
    tpu.wait_dma2 semaphore(%arg25 : memref<!tpu.dma_semaphore, #tpu.memory_space<semaphore_mem>>) src(%arg20 : memref<1600x32xf32, #tpu.memory_space<vmem>>) dst(%dma_wait3A_119 : memref<1600x32xf32, #tpu.memory_space<hbm>>)
    %dma_wait3A_120 = arith.constant 0 : i32
    %dma_wait3A_121 = arith.constant 0 : i32
    %dma_wait3A_122 = tpu.memref_slice %arg3[%dma_wait3A_120, %dma_wait3A_121] : memref<1000x32xf32, #tpu.memory_space<hbm>> -> memref<1000x32xf32, #tpu.memory_space<hbm>>
    tpu.wait_indirect_dma semaphore(%arg24 : memref<!tpu.dma_semaphore, #tpu.memory_space<semaphore_mem>>) src(%dma_wait3A_122 : memref<1000x32xf32, #tpu.memory_space<hbm>>) dst(%arg21 : memref<1600x32xf32, #tpu.memory_space<vmem>>)
    %dma_start3A_123 = arith.constant 0 : i32
    %dma_start3A_124 = tpu.memref_slice %arg13[%add3A_112, %dma_start3A_123] : memref<204800x32xf32, #tpu.memory_space<hbm>> -> memref<1600x32xf32, #tpu.memory_space<hbm>>
    %dma_start3A_125 = arith.constant 0 : i32
    %dma_start3A_126 = tpu.memref_slice %arg13[%add3A_112, %dma_start3A_125] : memref<204800x32xf32, #tpu.memory_space<hbm>> -> memref<1600x32xf32, #tpu.memory_space<hbm>>
    tpu.enqueue_dma source(%arg21 : memref<1600x32xf32, #tpu.memory_space<vmem>>) target(%dma_start3A_126 : memref<1600x32xf32, #tpu.memory_space<hbm>>) target_semaphore(%arg25 : memref<!tpu.dma_semaphore, #tpu.memory_space<semaphore_mem>>)
    %dma_wait3A_127 = arith.constant 0 : i32
    %dma_wait3A_128 = tpu.memref_slice %arg13[%add3A_112, %dma_wait3A_127] : memref<204800x32xf32, #tpu.memory_space<hbm>> -> memref<1600x32xf32, #tpu.memory_space<hbm>>
    %dma_wait3A_129 = arith.constant 0 : i32
    %dma_wait3A_130 = tpu.memref_slice %arg13[%add3A_112, %dma_wait3A_129] : memref<204800x32xf32, #tpu.memory_space<hbm>> -> memref<1600x32xf32, #tpu.memory_space<hbm>>
    tpu.wait_dma2 semaphore(%arg25 : memref<!tpu.dma_semaphore, #tpu.memory_space<semaphore_mem>>) src(%arg21 : memref<1600x32xf32, #tpu.memory_space<vmem>>) dst(%dma_wait3A_130 : memref<1600x32xf32, #tpu.memory_space<hbm>>)
    %mul3A_131 = arith.constant 32 : i32
    %mul3A_132 = arith.muli %add3A, %mul3A_131 : i32
    "tpu.region"() ({
      %run_scoped3A = tpu.sem_alloc : memref<!tpu.dma_semaphore, #tpu.memory_space<semaphore_mem>>
      %dma_start3A_163 = tpu.memref_slice %arg8[%mul3A_132] : memref<1024xi32, #tpu.memory_space<hbm>> -> memref<32xi32, #tpu.memory_space<hbm>>
      %dma_start3A_164 = tpu.memref_slice %arg8[%mul3A_132] : memref<1024xi32, #tpu.memory_space<hbm>> -> memref<32xi32, #tpu.memory_space<hbm>>
      tpu.enqueue_dma source(%dma_start3A_164 : memref<32xi32, #tpu.memory_space<hbm>>) target(%arg22 : memref<32xi32, #tpu.memory_space<vmem>>) target_semaphore(%run_scoped3A : memref<!tpu.dma_semaphore, #tpu.memory_space<semaphore_mem>>)
      %dma_wait3A_165 = tpu.memref_slice %arg8[%mul3A_132] : memref<1024xi32, #tpu.memory_space<hbm>> -> memref<32xi32, #tpu.memory_space<hbm>>
      %dma_wait3A_166 = tpu.memref_slice %arg8[%mul3A_132] : memref<1024xi32, #tpu.memory_space<hbm>> -> memref<32xi32, #tpu.memory_space<hbm>>
      tpu.wait_dma2 semaphore(%run_scoped3A : memref<!tpu.dma_semaphore, #tpu.memory_space<semaphore_mem>>) src(%dma_wait3A_166 : memref<32xi32, #tpu.memory_space<hbm>>) dst(%arg22 : memref<32xi32, #tpu.memory_space<vmem>>)
      tpu.yield
    }) : () -> ()
    %dma_start3A_133 = arith.constant 0 : i32
    %dma_start3A_134 = arith.constant 0 : i32
    %dma_start3A_135 = tpu.memref_slice %arg2[%dma_start3A_133, %dma_start3A_134] : memref<1015808x32xf32, #tpu.memory_space<hbm>> -> memref<1015808x32xf32, #tpu.memory_space<hbm>>
    tpu.enqueue_indirect_dma source(%dma_start3A_135 : memref<1015808x32xf32, #tpu.memory_space<hbm>>) target(%arg23 : memref<32x32xf32, #tpu.memory_space<vmem>>) offsets(%arg22 : memref<32xi32, #tpu.memory_space<vmem>>) semaphore(%arg24 : memref<!tpu.dma_semaphore, #tpu.memory_space<semaphore_mem>>)
    %dma_wait3A_136 = arith.constant 0 : i32
    %dma_wait3A_137 = arith.constant 0 : i32
    %dma_wait3A_138 = tpu.memref_slice %arg2[%dma_wait3A_136, %dma_wait3A_137] : memref<1015808x32xf32, #tpu.memory_space<hbm>> -> memref<1015808x32xf32, #tpu.memory_space<hbm>>
    tpu.wait_indirect_dma semaphore(%arg24 : memref<!tpu.dma_semaphore, #tpu.memory_space<semaphore_mem>>) src(%dma_wait3A_138 : memref<1015808x32xf32, #tpu.memory_space<hbm>>) dst(%arg23 : memref<32x32xf32, #tpu.memory_space<vmem>>)
    "tpu.region"() ({
      %run_scoped3A = tpu.sem_alloc : memref<!tpu.dma_semaphore, #tpu.memory_space<semaphore_mem>>
      %dma_start3A_163 = arith.constant 0 : i32
      %dma_start3A_164 = tpu.memref_slice %arg14[%mul3A_132, %dma_start3A_163] : memref<1024x32xf32, #tpu.memory_space<hbm>> -> memref<32x32xf32, #tpu.memory_space<hbm>>
      %dma_start3A_165 = arith.constant 0 : i32
      %dma_start3A_166 = tpu.memref_slice %arg14[%mul3A_132, %dma_start3A_165] : memref<1024x32xf32, #tpu.memory_space<hbm>> -> memref<32x32xf32, #tpu.memory_space<hbm>>
      tpu.enqueue_dma source(%arg23 : memref<32x32xf32, #tpu.memory_space<vmem>>) target(%dma_start3A_166 : memref<32x32xf32, #tpu.memory_space<hbm>>) target_semaphore(%run_scoped3A : memref<!tpu.dma_semaphore, #tpu.memory_space<semaphore_mem>>)
      %dma_wait3A_167 = arith.constant 0 : i32
      %dma_wait3A_168 = tpu.memref_slice %arg14[%mul3A_132, %dma_wait3A_167] : memref<1024x32xf32, #tpu.memory_space<hbm>> -> memref<32x32xf32, #tpu.memory_space<hbm>>
      %dma_wait3A_169 = arith.constant 0 : i32
      %dma_wait3A_170 = tpu.memref_slice %arg14[%mul3A_132, %dma_wait3A_169] : memref<1024x32xf32, #tpu.memory_space<hbm>> -> memref<32x32xf32, #tpu.memory_space<hbm>>
      tpu.wait_dma2 semaphore(%run_scoped3A : memref<!tpu.dma_semaphore, #tpu.memory_space<semaphore_mem>>) src(%arg23 : memref<32x32xf32, #tpu.memory_space<vmem>>) dst(%dma_wait3A_170 : memref<32x32xf32, #tpu.memory_space<hbm>>)
      tpu.yield
    }) : () -> ()
    %mul3A_139 = arith.constant 32 : i32
    %mul3A_140 = arith.muli %add3A, %mul3A_139 : i32
    "tpu.region"() ({
      %run_scoped3A = tpu.sem_alloc : memref<!tpu.dma_semaphore, #tpu.memory_space<semaphore_mem>>
      %dma_start3A_163 = tpu.memref_slice %arg9[%mul3A_140] : memref<1024xi32, #tpu.memory_space<hbm>> -> memref<32xi32, #tpu.memory_space<hbm>>
      %dma_start3A_164 = tpu.memref_slice %arg9[%mul3A_140] : memref<1024xi32, #tpu.memory_space<hbm>> -> memref<32xi32, #tpu.memory_space<hbm>>
      tpu.enqueue_dma source(%dma_start3A_164 : memref<32xi32, #tpu.memory_space<hbm>>) target(%arg22 : memref<32xi32, #tpu.memory_space<vmem>>) target_semaphore(%run_scoped3A : memref<!tpu.dma_semaphore, #tpu.memory_space<semaphore_mem>>)
      %dma_wait3A_165 = tpu.memref_slice %arg9[%mul3A_140] : memref<1024xi32, #tpu.memory_space<hbm>> -> memref<32xi32, #tpu.memory_space<hbm>>
      %dma_wait3A_166 = tpu.memref_slice %arg9[%mul3A_140] : memref<1024xi32, #tpu.memory_space<hbm>> -> memref<32xi32, #tpu.memory_space<hbm>>
      tpu.wait_dma2 semaphore(%run_scoped3A : memref<!tpu.dma_semaphore, #tpu.memory_space<semaphore_mem>>) src(%dma_wait3A_166 : memref<32xi32, #tpu.memory_space<hbm>>) dst(%arg22 : memref<32xi32, #tpu.memory_space<vmem>>)
      tpu.yield
    }) : () -> ()
    %dma_start3A_141 = arith.constant 0 : i32
    %dma_start3A_142 = arith.constant 0 : i32
    %dma_start3A_143 = tpu.memref_slice %arg3[%dma_start3A_141, %dma_start3A_142] : memref<1000x32xf32, #tpu.memory_space<hbm>> -> memref<1000x32xf32, #tpu.memory_space<hbm>>
    tpu.enqueue_indirect_dma source(%dma_start3A_143 : memref<1000x32xf32, #tpu.memory_space<hbm>>) target(%arg23 : memref<32x32xf32, #tpu.memory_space<vmem>>) offsets(%arg22 : memref<32xi32, #tpu.memory_space<vmem>>) semaphore(%arg24 : memref<!tpu.dma_semaphore, #tpu.memory_space<semaphore_mem>>)
    %dma_wait3A_144 = arith.constant 0 : i32
    %dma_wait3A_145 = arith.constant 0 : i32
    %dma_wait3A_146 = tpu.memref_slice %arg3[%dma_wait3A_144, %dma_wait3A_145] : memref<1000x32xf32, #tpu.memory_space<hbm>> -> memref<1000x32xf32, #tpu.memory_space<hbm>>
    tpu.wait_indirect_dma semaphore(%arg24 : memref<!tpu.dma_semaphore, #tpu.memory_space<semaphore_mem>>) src(%dma_wait3A_146 : memref<1000x32xf32, #tpu.memory_space<hbm>>) dst(%arg23 : memref<32x32xf32, #tpu.memory_space<vmem>>)
    "tpu.region"() ({
      %run_scoped3A = tpu.sem_alloc : memref<!tpu.dma_semaphore, #tpu.memory_space<semaphore_mem>>
      %dma_start3A_163 = arith.constant 0 : i32
      %dma_start3A_164 = tpu.memref_slice %arg15[%mul3A_140, %dma_start3A_163] : memref<1024x32xf32, #tpu.memory_space<hbm>> -> memref<32x32xf32, #tpu.memory_space<hbm>>
      %dma_start3A_165 = arith.constant 0 : i32
      %dma_start3A_166 = tpu.memref_slice %arg15[%mul3A_140, %dma_start3A_165] : memref<1024x32xf32, #tpu.memory_space<hbm>> -> memref<32x32xf32, #tpu.memory_space<hbm>>
      tpu.enqueue_dma source(%arg23 : memref<32x32xf32, #tpu.memory_space<vmem>>) target(%dma_start3A_166 : memref<32x32xf32, #tpu.memory_space<hbm>>) target_semaphore(%run_scoped3A : memref<!tpu.dma_semaphore, #tpu.memory_space<semaphore_mem>>)
      %dma_wait3A_167 = arith.constant 0 : i32
      %dma_wait3A_168 = tpu.memref_slice %arg15[%mul3A_140, %dma_wait3A_167] : memref<1024x32xf32, #tpu.memory_space<hbm>> -> memref<32x32xf32, #tpu.memory_space<hbm>>
      %dma_wait3A_169 = arith.constant 0 : i32
      %dma_wait3A_170 = tpu.memref_slice %arg15[%mul3A_140, %dma_wait3A_169] : memref<1024x32xf32, #tpu.memory_space<hbm>> -> memref<32x32xf32, #tpu.memory_space<hbm>>
      tpu.wait_dma2 semaphore(%run_scoped3A : memref<!tpu.dma_semaphore, #tpu.memory_space<semaphore_mem>>) src(%arg23 : memref<32x32xf32, #tpu.memory_space<vmem>>) dst(%dma_wait3A_170 : memref<32x32xf32, #tpu.memory_space<hbm>>)
      tpu.yield
    }) : () -> ()
    %mul3A_147 = arith.constant 32 : i32
    %mul3A_148 = arith.muli %add3A, %mul3A_147 : i32
    "tpu.region"() ({
      %run_scoped3A = tpu.sem_alloc : memref<!tpu.dma_semaphore, #tpu.memory_space<semaphore_mem>>
      %dma_start3A_163 = tpu.memref_slice %arg10[%mul3A_148] : memref<1024xi32, #tpu.memory_space<hbm>> -> memref<32xi32, #tpu.memory_space<hbm>>
      %dma_start3A_164 = tpu.memref_slice %arg10[%mul3A_148] : memref<1024xi32, #tpu.memory_space<hbm>> -> memref<32xi32, #tpu.memory_space<hbm>>
      tpu.enqueue_dma source(%dma_start3A_164 : memref<32xi32, #tpu.memory_space<hbm>>) target(%arg22 : memref<32xi32, #tpu.memory_space<vmem>>) target_semaphore(%run_scoped3A : memref<!tpu.dma_semaphore, #tpu.memory_space<semaphore_mem>>)
      %dma_wait3A_165 = tpu.memref_slice %arg10[%mul3A_148] : memref<1024xi32, #tpu.memory_space<hbm>> -> memref<32xi32, #tpu.memory_space<hbm>>
      %dma_wait3A_166 = tpu.memref_slice %arg10[%mul3A_148] : memref<1024xi32, #tpu.memory_space<hbm>> -> memref<32xi32, #tpu.memory_space<hbm>>
      tpu.wait_dma2 semaphore(%run_scoped3A : memref<!tpu.dma_semaphore, #tpu.memory_space<semaphore_mem>>) src(%dma_wait3A_166 : memref<32xi32, #tpu.memory_space<hbm>>) dst(%arg22 : memref<32xi32, #tpu.memory_space<vmem>>)
      tpu.yield
    }) : () -> ()
    %dma_start3A_149 = arith.constant 0 : i32
    %dma_start3A_150 = arith.constant 0 : i32
    %dma_start3A_151 = tpu.memref_slice %arg4[%dma_start3A_149, %dma_start3A_150] : memref<131072x32xf32, #tpu.memory_space<hbm>> -> memref<131072x32xf32, #tpu.memory_space<hbm>>
    tpu.enqueue_indirect_dma source(%dma_start3A_151 : memref<131072x32xf32, #tpu.memory_space<hbm>>) target(%arg23 : memref<32x32xf32, #tpu.memory_space<vmem>>) offsets(%arg22 : memref<32xi32, #tpu.memory_space<vmem>>) semaphore(%arg24 : memref<!tpu.dma_semaphore, #tpu.memory_space<semaphore_mem>>)
    %dma_wait3A_152 = arith.constant 0 : i32
    %dma_wait3A_153 = arith.constant 0 : i32
    %dma_wait3A_154 = tpu.memref_slice %arg4[%dma_wait3A_152, %dma_wait3A_153] : memref<131072x32xf32, #tpu.memory_space<hbm>> -> memref<131072x32xf32, #tpu.memory_space<hbm>>
    tpu.wait_indirect_dma semaphore(%arg24 : memref<!tpu.dma_semaphore, #tpu.memory_space<semaphore_mem>>) src(%dma_wait3A_154 : memref<131072x32xf32, #tpu.memory_space<hbm>>) dst(%arg23 : memref<32x32xf32, #tpu.memory_space<vmem>>)
    "tpu.region"() ({
      %run_scoped3A = tpu.sem_alloc : memref<!tpu.dma_semaphore, #tpu.memory_space<semaphore_mem>>
      %dma_start3A_163 = arith.constant 0 : i32
      %dma_start3A_164 = tpu.memref_slice %arg16[%mul3A_148, %dma_start3A_163] : memref<1024x32xf32, #tpu.memory_space<hbm>> -> memref<32x32xf32, #tpu.memory_space<hbm>>
      %dma_start3A_165 = arith.constant 0 : i32
      %dma_start3A_166 = tpu.memref_slice %arg16[%mul3A_148, %dma_start3A_165] : memref<1024x32xf32, #tpu.memory_space<hbm>> -> memref<32x32xf32, #tpu.memory_space<hbm>>
      tpu.enqueue_dma source(%arg23 : memref<32x32xf32, #tpu.memory_space<vmem>>) target(%dma_start3A_166 : memref<32x32xf32, #tpu.memory_space<hbm>>) target_semaphore(%run_scoped3A : memref<!tpu.dma_semaphore, #tpu.memory_space<semaphore_mem>>)
      %dma_wait3A_167 = arith.constant 0 : i32
      %dma_wait3A_168 = tpu.memref_slice %arg16[%mul3A_148, %dma_wait3A_167] : memref<1024x32xf32, #tpu.memory_space<hbm>> -> memref<32x32xf32, #tpu.memory_space<hbm>>
      %dma_wait3A_169 = arith.constant 0 : i32
      %dma_wait3A_170 = tpu.memref_slice %arg16[%mul3A_148, %dma_wait3A_169] : memref<1024x32xf32, #tpu.memory_space<hbm>> -> memref<32x32xf32, #tpu.memory_space<hbm>>
      tpu.wait_dma2 semaphore(%run_scoped3A : memref<!tpu.dma_semaphore, #tpu.memory_space<semaphore_mem>>) src(%arg23 : memref<32x32xf32, #tpu.memory_space<vmem>>) dst(%dma_wait3A_170 : memref<32x32xf32, #tpu.memory_space<hbm>>)
      tpu.yield
    }) : () -> ()
    %mul3A_155 = arith.constant 32 : i32
    %mul3A_156 = arith.muli %add3A, %mul3A_155 : i32
    "tpu.region"() ({
      %run_scoped3A = tpu.sem_alloc : memref<!tpu.dma_semaphore, #tpu.memory_space<semaphore_mem>>
      %dma_start3A_163 = tpu.memref_slice %arg11[%mul3A_156] : memref<1024xi32, #tpu.memory_space<hbm>> -> memref<32xi32, #tpu.memory_space<hbm>>
      %dma_start3A_164 = tpu.memref_slice %arg11[%mul3A_156] : memref<1024xi32, #tpu.memory_space<hbm>> -> memref<32xi32, #tpu.memory_space<hbm>>
      tpu.enqueue_dma source(%dma_start3A_164 : memref<32xi32, #tpu.memory_space<hbm>>) target(%arg22 : memref<32xi32, #tpu.memory_space<vmem>>) target_semaphore(%run_scoped3A : memref<!tpu.dma_semaphore, #tpu.memory_space<semaphore_mem>>)
      %dma_wait3A_165 = tpu.memref_slice %arg11[%mul3A_156] : memref<1024xi32, #tpu.memory_space<hbm>> -> memref<32xi32, #tpu.memory_space<hbm>>
      %dma_wait3A_166 = tpu.memref_slice %arg11[%mul3A_156] : memref<1024xi32, #tpu.memory_space<hbm>> -> memref<32xi32, #tpu.memory_space<hbm>>
      tpu.wait_dma2 semaphore(%run_scoped3A : memref<!tpu.dma_semaphore, #tpu.memory_space<semaphore_mem>>) src(%dma_wait3A_166 : memref<32xi32, #tpu.memory_space<hbm>>) dst(%arg22 : memref<32xi32, #tpu.memory_space<vmem>>)
      tpu.yield
    }) : () -> ()
    %dma_start3A_157 = arith.constant 0 : i32
    %dma_start3A_158 = arith.constant 0 : i32
    %dma_start3A_159 = tpu.memref_slice %arg5[%dma_start3A_157, %dma_start3A_158] : memref<1000x32xf32, #tpu.memory_space<hbm>> -> memref<1000x32xf32, #tpu.memory_space<hbm>>
    tpu.enqueue_indirect_dma source(%dma_start3A_159 : memref<1000x32xf32, #tpu.memory_space<hbm>>) target(%arg23 : memref<32x32xf32, #tpu.memory_space<vmem>>) offsets(%arg22 : memref<32xi32, #tpu.memory_space<vmem>>) semaphore(%arg24 : memref<!tpu.dma_semaphore, #tpu.memory_space<semaphore_mem>>)
    %dma_wait3A_160 = arith.constant 0 : i32
    %dma_wait3A_161 = arith.constant 0 : i32
    %dma_wait3A_162 = tpu.memref_slice %arg5[%dma_wait3A_160, %dma_wait3A_161] : memref<1000x32xf32, #tpu.memory_space<hbm>> -> memref<1000x32xf32, #tpu.memory_space<hbm>>
    tpu.wait_indirect_dma semaphore(%arg24 : memref<!tpu.dma_semaphore, #tpu.memory_space<semaphore_mem>>) src(%dma_wait3A_162 : memref<1000x32xf32, #tpu.memory_space<hbm>>) dst(%arg23 : memref<32x32xf32, #tpu.memory_space<vmem>>)
    "tpu.region"() ({
      %run_scoped3A = tpu.sem_alloc : memref<!tpu.dma_semaphore, #tpu.memory_space<semaphore_mem>>
      %dma_start3A_163 = arith.constant 0 : i32
      %dma_start3A_164 = tpu.memref_slice %arg17[%mul3A_156, %dma_start3A_163] : memref<1024x32xf32, #tpu.memory_space<hbm>> -> memref<32x32xf32, #tpu.memory_space<hbm>>
      %dma_start3A_165 = arith.constant 0 : i32
      %dma_start3A_166 = tpu.memref_slice %arg17[%mul3A_156, %dma_start3A_165] : memref<1024x32xf32, #tpu.memory_space<hbm>> -> memref<32x32xf32, #tpu.memory_space<hbm>>
      tpu.enqueue_dma source(%arg23 : memref<32x32xf32, #tpu.memory_space<vmem>>) target(%dma_start3A_166 : memref<32x32xf32, #tpu.memory_space<hbm>>) target_semaphore(%run_scoped3A : memref<!tpu.dma_semaphore, #tpu.memory_space<semaphore_mem>>)
      %dma_wait3A_167 = arith.constant 0 : i32
      %dma_wait3A_168 = tpu.memref_slice %arg17[%mul3A_156, %dma_wait3A_167] : memref<1024x32xf32, #tpu.memory_space<hbm>> -> memref<32x32xf32, #tpu.memory_space<hbm>>
      %dma_wait3A_169 = arith.constant 0 : i32
      %dma_wait3A_170 = tpu.memref_slice %arg17[%mul3A_156, %dma_wait3A_169] : memref<1024x32xf32, #tpu.memory_space<hbm>> -> memref<32x32xf32, #tpu.memory_space<hbm>>
      tpu.wait_dma2 semaphore(%run_scoped3A : memref<!tpu.dma_semaphore, #tpu.memory_space<semaphore_mem>>) src(%arg23 : memref<32x32xf32, #tpu.memory_space<vmem>>) dst(%dma_wait3A_170 : memref<32x32xf32, #tpu.memory_space<hbm>>)
      tpu.yield
    }) : () -> ()
    return
  }
}

module attributes {stable_mosaic.version = 14 : i64} {
  func.func @_tr_kernel(%arg0: i32, %arg1: memref<32x8192xf32, #tpu.memory_space<vmem>>, %arg2: memref<32x8192xf32, #tpu.memory_space<vmem>>, %arg3: memref<32x8192xf32, #tpu.memory_space<vmem>>, %arg4: memref<32x8192xf32, #tpu.memory_space<vmem>>, %arg5: memref<128x128xf32, #tpu.memory_space<vmem>>, %arg6: memref<8192x128xf32, #tpu.memory_space<vmem>>) attributes {dimension_semantics = [#tpu.dimension_semantics<arbitrary>], iteration_bounds = array<i64: 31>, scalar_prefetch = 0 : i64, scratch_operands = 0 : i64, tpu.core_type = #tpu.core_type<tc>, window_params = [{transform_indices = @transform_0, window_bounds = array<i64: 32, 8192>}, {transform_indices = @transform_1, window_bounds = array<i64: 32, 8192>}, {transform_indices = @transform_2, window_bounds = array<i64: 32, 8192>}, {transform_indices = @transform_3, window_bounds = array<i64: 32, 8192>}, {pipeline_mode = #tpu.pipeline_mode<synchronous>, transform_indices = @transform_4, window_bounds = array<i64: 128, 128>}, {transform_indices = @transform_5, window_bounds = array<i64: 8192, 128>}]} {
    %get3A = arith.constant 0 : index
    %get3A_0 = arith.constant 0 : index
    %get3A_1 = vector.load %arg1[%get3A, %get3A_0] : memref<32x8192xf32, #tpu.memory_space<vmem>>, vector<32x8192xf32>
    %get3A_2 = arith.constant 0 : index
    %get3A_3 = arith.constant 0 : index
    %get3A_4 = vector.load %arg2[%get3A_2, %get3A_3] : memref<32x8192xf32, #tpu.memory_space<vmem>>, vector<32x8192xf32>
    %get3A_5 = arith.constant 0 : index
    %get3A_6 = arith.constant 0 : index
    %get3A_7 = vector.load %arg3[%get3A_5, %get3A_6] : memref<32x8192xf32, #tpu.memory_space<vmem>>, vector<32x8192xf32>
    %get3A_8 = arith.constant 0 : index
    %get3A_9 = arith.constant 0 : index
    %get3A_10 = vector.load %arg4[%get3A_8, %get3A_9] : memref<32x8192xf32, #tpu.memory_space<vmem>>, vector<32x8192xf32>
    %concatenate3A = tpu.concatenate %get3A_1, %get3A_4, %get3A_7, %get3A_10 in 0 : vector<32x8192xf32>, vector<32x8192xf32>, vector<32x8192xf32>, vector<32x8192xf32> -> vector<128x8192xf32>
    %get3A_11 = arith.constant 0 : index
    %get3A_12 = arith.constant 0 : index
    %get3A_13 = vector.load %arg5[%get3A_11, %get3A_12] : memref<128x128xf32, #tpu.memory_space<vmem>>, vector<128x128xf32>
    %dot_general3A = arith.constant dense<0.000000e+00> : vector<8192x128xf32>
    %dot_general3A_14 = tpu.matmul %concatenate3A, %get3A_13, %dot_general3A {dimension_numbers = #tpu.dot_dimension_numbers<[0], [0], [1], [1], [0, 1, 1, 1], [], []>, transpose_lhs_hint = false} : vector<128x8192xf32>, vector<128x128xf32>, vector<8192x128xf32> -> vector<8192x128xf32>
    %swap3A = arith.constant 0 : index
    %swap3A_15 = arith.constant 0 : index
    %swap3A_16 = vector.load %arg6[%swap3A, %swap3A_15] : memref<8192x128xf32, #tpu.memory_space<vmem>>, vector<8192x128xf32>
    tpu.vector_store %arg6[%swap3A, %swap3A_15], %dot_general3A_14 {strides = array<i32>} : memref<8192x128xf32, #tpu.memory_space<vmem>>, vector<8192x128xf32>,
    return
  }
  func.func @transform_0(%arg0: i32) -> (i32, i32) {
    %add3A = arith.constant 0 : i32
    %add3A_0 = arith.addi %add3A, %arg0 : i32
    %min3A = arith.constant 122 : i32
    %min3A_1 = arith.minsi %add3A_0, %min3A : i32
    %c0_i32 = arith.constant 0 : i32
    %c0_i32_2 = arith.constant 0 : i32
    return %c0_i32, %min3A_1 : i32, i32
  }
  func.func @transform_1(%arg0: i32) -> (i32, i32) {
    %add3A = arith.constant 31 : i32
    %add3A_0 = arith.addi %add3A, %arg0 : i32
    %min3A = arith.constant 122 : i32
    %min3A_1 = arith.minsi %add3A_0, %min3A : i32
    %c0_i32 = arith.constant 0 : i32
    %c0_i32_2 = arith.constant 0 : i32
    return %c0_i32, %min3A_1 : i32, i32
  }
  func.func @transform_2(%arg0: i32) -> (i32, i32) {
    %add3A = arith.constant 62 : i32
    %add3A_0 = arith.addi %add3A, %arg0 : i32
    %min3A = arith.constant 122 : i32
    %min3A_1 = arith.minsi %add3A_0, %min3A : i32
    %c0_i32 = arith.constant 0 : i32
    %c0_i32_2 = arith.constant 0 : i32
    return %c0_i32, %min3A_1 : i32, i32
  }
  func.func @transform_3(%arg0: i32) -> (i32, i32) {
    %add3A = arith.constant 93 : i32
    %add3A_0 = arith.addi %add3A, %arg0 : i32
    %min3A = arith.constant 122 : i32
    %min3A_1 = arith.minsi %add3A_0, %min3A : i32
    %c0_i32 = arith.constant 0 : i32
    %c0_i32_2 = arith.constant 0 : i32
    return %c0_i32, %min3A_1 : i32, i32
  }
  func.func @transform_4(%arg0: i32) -> (i32, i32) {
    %c0_i32 = arith.constant 0 : i32
    %c0_i32_0 = arith.constant 0 : i32
    %c0_i32_1 = arith.constant 0 : i32
    return %c0_i32, %c0_i32_0 : i32, i32
  }
  func.func @transform_5(%arg0: i32) -> (i32, i32) {
    %c0_i32 = arith.constant 0 : i32
    %c0_i32_0 = arith.constant 0 : i32
    return %arg0, %c0_i32 : i32, i32
  }
}

module attributes {stable_mosaic.version = 14 : i64} {
  func.func @_tr_kernel(%arg0: i32, %arg1: memref<32x8192xf32, #tpu.memory_space<vmem>>, %arg2: memref<32x8192xf32, #tpu.memory_space<vmem>>, %arg3: memref<32x8192xf32, #tpu.memory_space<vmem>>, %arg4: memref<32x8192xf32, #tpu.memory_space<vmem>>, %arg5: memref<128x128xf32, #tpu.memory_space<vmem>>, %arg6: memref<8192x128xf32, #tpu.memory_space<vmem>>) attributes {dimension_semantics = [#tpu.dimension_semantics<arbitrary>], iteration_bounds = array<i64: 4>, scalar_prefetch = 0 : i64, scratch_operands = 0 : i64, tpu.core_type = #tpu.core_type<tc>, window_params = [{transform_indices = @transform_0, window_bounds = array<i64: 32, 8192>}, {transform_indices = @transform_1, window_bounds = array<i64: 32, 8192>}, {transform_indices = @transform_2, window_bounds = array<i64: 32, 8192>}, {transform_indices = @transform_3, window_bounds = array<i64: 32, 8192>}, {pipeline_mode = #tpu.pipeline_mode<synchronous>, transform_indices = @transform_4, window_bounds = array<i64: 128, 128>}, {transform_indices = @transform_5, window_bounds = array<i64: 8192, 128>}]} {
    %get3A = arith.constant 0 : index
    %get3A_0 = arith.constant 0 : index
    %get3A_1 = vector.load %arg1[%get3A, %get3A_0] : memref<32x8192xf32, #tpu.memory_space<vmem>>, vector<32x8192xf32>
    %get3A_2 = arith.constant 0 : index
    %get3A_3 = arith.constant 0 : index
    %get3A_4 = vector.load %arg2[%get3A_2, %get3A_3] : memref<32x8192xf32, #tpu.memory_space<vmem>>, vector<32x8192xf32>
    %get3A_5 = arith.constant 0 : index
    %get3A_6 = arith.constant 0 : index
    %get3A_7 = vector.load %arg3[%get3A_5, %get3A_6] : memref<32x8192xf32, #tpu.memory_space<vmem>>, vector<32x8192xf32>
    %get3A_8 = arith.constant 0 : index
    %get3A_9 = arith.constant 0 : index
    %get3A_10 = vector.load %arg4[%get3A_8, %get3A_9] : memref<32x8192xf32, #tpu.memory_space<vmem>>, vector<32x8192xf32>
    %concatenate3A = tpu.concatenate %get3A_1, %get3A_4, %get3A_7, %get3A_10 in 0 : vector<32x8192xf32>, vector<32x8192xf32>, vector<32x8192xf32>, vector<32x8192xf32> -> vector<128x8192xf32>
    %get3A_11 = arith.constant 0 : index
    %get3A_12 = arith.constant 0 : index
    %get3A_13 = vector.load %arg5[%get3A_11, %get3A_12] : memref<128x128xf32, #tpu.memory_space<vmem>>, vector<128x128xf32>
    %dot_general3A = arith.constant dense<0.000000e+00> : vector<8192x128xf32>
    %dot_general3A_14 = tpu.matmul %concatenate3A, %get3A_13, %dot_general3A {dimension_numbers = #tpu.dot_dimension_numbers<[0], [0], [1], [1], [0, 1, 1, 1], [], []>, transpose_lhs_hint = false} : vector<128x8192xf32>, vector<128x128xf32>, vector<8192x128xf32> -> vector<8192x128xf32>
    %swap3A = arith.constant 0 : index
    %swap3A_15 = arith.constant 0 : index
    %swap3A_16 = vector.load %arg6[%swap3A, %swap3A_15] : memref<8192x128xf32, #tpu.memory_space<vmem>>, vector<8192x128xf32>
    tpu.vector_store %arg6[%swap3A, %swap3A_15], %dot_general3A_14 {strides = array<i32>} : memref<8192x128xf32, #tpu.memory_space<vmem>>, vector<8192x128xf32>,
    return
  }
  func.func @transform_0(%arg0: i32) -> (i32, i32) {
    %add3A = arith.constant 0 : i32
    %add3A_0 = arith.addi %add3A, %arg0 : i32
    %min3A = arith.constant 12 : i32
    %min3A_1 = arith.minsi %add3A_0, %min3A : i32
    %c0_i32 = arith.constant 0 : i32
    %c0_i32_2 = arith.constant 0 : i32
    return %c0_i32, %min3A_1 : i32, i32
  }
  func.func @transform_1(%arg0: i32) -> (i32, i32) {
    %add3A = arith.constant 4 : i32
    %add3A_0 = arith.addi %add3A, %arg0 : i32
    %min3A = arith.constant 12 : i32
    %min3A_1 = arith.minsi %add3A_0, %min3A : i32
    %c0_i32 = arith.constant 0 : i32
    %c0_i32_2 = arith.constant 0 : i32
    return %c0_i32, %min3A_1 : i32, i32
  }
  func.func @transform_2(%arg0: i32) -> (i32, i32) {
    %add3A = arith.constant 8 : i32
    %add3A_0 = arith.addi %add3A, %arg0 : i32
    %min3A = arith.constant 12 : i32
    %min3A_1 = arith.minsi %add3A_0, %min3A : i32
    %c0_i32 = arith.constant 0 : i32
    %c0_i32_2 = arith.constant 0 : i32
    return %c0_i32, %min3A_1 : i32, i32
  }
  func.func @transform_3(%arg0: i32) -> (i32, i32) {
    %add3A = arith.constant 12 : i32
    %add3A_0 = arith.addi %add3A, %arg0 : i32
    %min3A = arith.constant 12 : i32
    %min3A_1 = arith.minsi %add3A_0, %min3A : i32
    %c0_i32 = arith.constant 0 : i32
    %c0_i32_2 = arith.constant 0 : i32
    return %c0_i32, %min3A_1 : i32, i32
  }
  func.func @transform_4(%arg0: i32) -> (i32, i32) {
    %c0_i32 = arith.constant 0 : i32
    %c0_i32_0 = arith.constant 0 : i32
    %c0_i32_1 = arith.constant 0 : i32
    return %c0_i32, %c0_i32_0 : i32, i32
  }
  func.func @transform_5(%arg0: i32) -> (i32, i32) {
    %c0_i32 = arith.constant 0 : i32
    %c0_i32_0 = arith.constant 0 : i32
    return %arg0, %c0_i32 : i32, i32
  }
}

module attributes {stable_mosaic.version = 14 : i64} {
  func.func @_fc_kernel(%arg0: memref<1024x32xf32, #tpu.memory_space<vmem>>, %arg1: memref<1024x128xf32, #tpu.memory_space<vmem>>, %arg2: memref<1024x32xf32, #tpu.memory_space<vmem>>, %arg3: memref<1024x32xf32, #tpu.memory_space<vmem>>, %arg4: memref<1024x32xf32, #tpu.memory_space<vmem>>, %arg5: memref<192x200xf32, #tpu.memory_space<vmem>>, %arg6: memref<1x200xf32, #tpu.memory_space<vmem>>, %arg7: memref<1x200xf32, #tpu.memory_space<vmem>>, %arg8: memref<200x80xf32, #tpu.memory_space<vmem>>, %arg9: memref<1x80xf32, #tpu.memory_space<vmem>>, %arg10: memref<1x80xf32, #tpu.memory_space<vmem>>, %arg11: memref<80x2xf32, #tpu.memory_space<vmem>>, %arg12: memref<1x2xf32, #tpu.memory_space<vmem>>, %arg13: memref<1024x2xf32, #tpu.memory_space<vmem>>) attributes {dimension_semantics = [], scalar_prefetch = 0 : i64, scratch_operands = 0 : i64, tpu.core_type = #tpu.core_type<tc>} {
    %get3A = arith.constant 0 : index
    %get3A_0 = arith.constant 0 : index
    %get3A_1 = vector.load %arg0[%get3A, %get3A_0] : memref<1024x32xf32, #tpu.memory_space<vmem>>, vector<1024x32xf32>
    %get3A_2 = arith.constant 0 : index
    %get3A_3 = arith.constant 0 : index
    %get3A_4 = vector.load %arg1[%get3A_2, %get3A_3] : memref<1024x128xf32, #tpu.memory_space<vmem>>, vector<1024x128xf32>
    %slice3A = vector.extract_strided_slice %get3A_4 {offsets = [0, 0], sizes = [1024, 64], strides = [1, 1]} : vector<1024x128xf32> to vector<1024x64xf32>
    %get3A_5 = arith.constant 0 : index
    %get3A_6 = arith.constant 0 : index
    %get3A_7 = vector.load %arg2[%get3A_5, %get3A_6] : memref<1024x32xf32, #tpu.memory_space<vmem>>, vector<1024x32xf32>
    %get3A_8 = arith.constant 0 : index
    %get3A_9 = arith.constant 0 : index
    %get3A_10 = vector.load %arg3[%get3A_8, %get3A_9] : memref<1024x32xf32, #tpu.memory_space<vmem>>, vector<1024x32xf32>
    %get3A_11 = arith.constant 0 : index
    %get3A_12 = arith.constant 0 : index
    %get3A_13 = vector.load %arg4[%get3A_11, %get3A_12] : memref<1024x32xf32, #tpu.memory_space<vmem>>, vector<1024x32xf32>
    %concatenate3A = tpu.concatenate %get3A_1, %slice3A, %get3A_7, %get3A_10, %get3A_13 in 1 : vector<1024x32xf32>, vector<1024x64xf32>, vector<1024x32xf32>, vector<1024x32xf32>, vector<1024x32xf32> -> vector<1024x192xf32>
    %get3A_14 = arith.constant 0 : index
    %get3A_15 = arith.constant 0 : index
    %get3A_16 = vector.load %arg5[%get3A_14, %get3A_15] : memref<192x200xf32, #tpu.memory_space<vmem>>, vector<192x200xf32>
    %dot_general3A = arith.constant dense<0.000000e+00> : vector<1024x200xf32>
    %dot_general3A_17 = tpu.matmul %concatenate3A, %get3A_16, %dot_general3A {dimension_numbers = #tpu.dot_dimension_numbers<[1], [0], [0], [1], [0, 0, 1, 1], [], []>, transpose_lhs_hint = false} : vector<1024x192xf32>, vector<192x200xf32>, vector<1024x200xf32> -> vector<1024x200xf32>
    %get3A_18 = arith.constant 0 : index
    %get3A_19 = arith.constant 0 : index
    %get3A_20 = vector.load %arg6[%get3A_18, %get3A_19] : memref<1x200xf32, #tpu.memory_space<vmem>>, vector<1x200xf32>
    %add3A = vector.broadcast %get3A_20 : vector<1x200xf32> to vector<1024x200xf32>
    %add3A_21 = arith.addf %dot_general3A_17, %add3A : vector<1024x200xf32>
    %reduce_sum3A = arith.constant dense<0.000000e+00> : vector<200xf32>
    %reduce_sum3A_22 = vector.multi_reduction <add>, %add3A_21, %reduce_sum3A [0] : vector<1024x200xf32> to vector<200xf32>
    %broadcast_in_dim3A = vector.shape_cast %reduce_sum3A_22 : vector<200xf32> to vector<1x200xf32>
    %div3A = arith.constant 1.024000e+03 : f32
    %div3A_23 = vector.broadcast %div3A : f32 to vector<1x200xf32>
    %div3A_24 = arith.divf %broadcast_in_dim3A, %div3A_23 : vector<1x200xf32>
    %sub3A = vector.broadcast %div3A_24 : vector<1x200xf32> to vector<1024x200xf32>
    %sub3A_25 = arith.subf %add3A_21, %sub3A : vector<1024x200xf32>
    %integer_pow3A = arith.mulf %sub3A_25, %sub3A_25 : vector<1024x200xf32>
    %reduce_sum3A_26 = arith.constant dense<0.000000e+00> : vector<200xf32>
    %reduce_sum3A_27 = vector.multi_reduction <add>, %integer_pow3A, %reduce_sum3A_26 [0] : vector<1024x200xf32> to vector<200xf32>
    %broadcast_in_dim3A_28 = vector.shape_cast %reduce_sum3A_27 : vector<200xf32> to vector<1x200xf32>
    %div3A_29 = arith.constant 1.024000e+03 : f32
    %div3A_30 = vector.broadcast %div3A_29 : f32 to vector<1x200xf32>
    %div3A_31 = arith.divf %broadcast_in_dim3A_28, %div3A_30 : vector<1x200xf32>
    %sub3A_32 = vector.broadcast %div3A_24 : vector<1x200xf32> to vector<1024x200xf32>
    %sub3A_33 = arith.subf %add3A_21, %sub3A_32 : vector<1024x200xf32>
    %add3A_34 = arith.constant 9.99999993E-9 : f32
    %add3A_35 = vector.broadcast %add3A_34 : f32 to vector<1x200xf32>
    %add3A_36 = arith.addf %div3A_31, %add3A_35 : vector<1x200xf32>
    %sqrt3A = math.sqrt %add3A_36 : vector<1x200xf32>
    %div3A_37 = vector.broadcast %sqrt3A : vector<1x200xf32> to vector<1024x200xf32>
    %div3A_38 = arith.divf %sub3A_33, %div3A_37 : vector<1024x200xf32>
    %logistic3A = arith.negf %div3A_38 : vector<1024x200xf32>
    %logistic3A_39 = math.exp %logistic3A : vector<1024x200xf32>
    %logistic3A_40 = arith.constant 1.000000e+00 : f32
    %logistic3A_41 = vector.broadcast %logistic3A_40 : f32 to vector<1024x200xf32>
    %logistic3A_42 = arith.addf %logistic3A_41, %logistic3A_39 : vector<1024x200xf32>
    %logistic3A_43 = arith.divf %logistic3A_41, %logistic3A_42 : vector<1024x200xf32>
    %sub3A_44 = arith.constant 1.000000e+00 : f32
    %sub3A_45 = vector.broadcast %sub3A_44 : f32 to vector<1024x200xf32>
    %sub3A_46 = arith.subf %sub3A_45, %logistic3A_43 : vector<1024x200xf32>
    %get3A_47 = arith.constant 0 : index
    %get3A_48 = arith.constant 0 : index
    %get3A_49 = vector.load %arg7[%get3A_47, %get3A_48] : memref<1x200xf32, #tpu.memory_space<vmem>>, vector<1x200xf32>
    %mul3A = vector.broadcast %get3A_49 : vector<1x200xf32> to vector<1024x200xf32>
    %mul3A_50 = arith.mulf %sub3A_46, %mul3A : vector<1024x200xf32>
    %add3A_51 = arith.addf %logistic3A_43, %mul3A_50 : vector<1024x200xf32>
    %mul3A_52 = arith.mulf %add3A_21, %add3A_51 : vector<1024x200xf32>
    %get3A_53 = arith.constant 0 : index
    %get3A_54 = arith.constant 0 : index
    %get3A_55 = vector.load %arg8[%get3A_53, %get3A_54] : memref<200x80xf32, #tpu.memory_space<vmem>>, vector<200x80xf32>
    %dot_general3A_56 = arith.constant dense<0.000000e+00> : vector<1024x80xf32>
    %dot_general3A_57 = tpu.matmul %mul3A_52, %get3A_55, %dot_general3A_56 {dimension_numbers = #tpu.dot_dimension_numbers<[1], [0], [0], [1], [0, 0, 1, 1], [], []>, transpose_lhs_hint = false} : vector<1024x200xf32>, vector<200x80xf32>, vector<1024x80xf32> -> vector<1024x80xf32>
    %get3A_58 = arith.constant 0 : index
    %get3A_59 = arith.constant 0 : index
    %get3A_60 = vector.load %arg9[%get3A_58, %get3A_59] : memref<1x80xf32, #tpu.memory_space<vmem>>, vector<1x80xf32>
    %add3A_61 = vector.broadcast %get3A_60 : vector<1x80xf32> to vector<1024x80xf32>
    %add3A_62 = arith.addf %dot_general3A_57, %add3A_61 : vector<1024x80xf32>
    %reduce_sum3A_63 = arith.constant dense<0.000000e+00> : vector<80xf32>
    %reduce_sum3A_64 = vector.multi_reduction <add>, %add3A_62, %reduce_sum3A_63 [0] : vector<1024x80xf32> to vector<80xf32>
    %broadcast_in_dim3A_65 = vector.shape_cast %reduce_sum3A_64 : vector<80xf32> to vector<1x80xf32>
    %div3A_66 = arith.constant 1.024000e+03 : f32
    %div3A_67 = vector.broadcast %div3A_66 : f32 to vector<1x80xf32>
    %div3A_68 = arith.divf %broadcast_in_dim3A_65, %div3A_67 : vector<1x80xf32>
    %sub3A_69 = vector.broadcast %div3A_68 : vector<1x80xf32> to vector<1024x80xf32>
    %sub3A_70 = arith.subf %add3A_62, %sub3A_69 : vector<1024x80xf32>
    %integer_pow3A_71 = arith.mulf %sub3A_70, %sub3A_70 : vector<1024x80xf32>
    %reduce_sum3A_72 = arith.constant dense<0.000000e+00> : vector<80xf32>
    %reduce_sum3A_73 = vector.multi_reduction <add>, %integer_pow3A_71, %reduce_sum3A_72 [0] : vector<1024x80xf32> to vector<80xf32>
    %broadcast_in_dim3A_74 = vector.shape_cast %reduce_sum3A_73 : vector<80xf32> to vector<1x80xf32>
    %div3A_75 = arith.constant 1.024000e+03 : f32
    %div3A_76 = vector.broadcast %div3A_75 : f32 to vector<1x80xf32>
    %div3A_77 = arith.divf %broadcast_in_dim3A_74, %div3A_76 : vector<1x80xf32>
    %sub3A_78 = vector.broadcast %div3A_68 : vector<1x80xf32> to vector<1024x80xf32>
    %sub3A_79 = arith.subf %add3A_62, %sub3A_78 : vector<1024x80xf32>
    %add3A_80 = arith.constant 9.99999993E-9 : f32
    %add3A_81 = vector.broadcast %add3A_80 : f32 to vector<1x80xf32>
    %add3A_82 = arith.addf %div3A_77, %add3A_81 : vector<1x80xf32>
    %sqrt3A_83 = math.sqrt %add3A_82 : vector<1x80xf32>
    %div3A_84 = vector.broadcast %sqrt3A_83 : vector<1x80xf32> to vector<1024x80xf32>
    %div3A_85 = arith.divf %sub3A_79, %div3A_84 : vector<1024x80xf32>
    %logistic3A_86 = arith.negf %div3A_85 : vector<1024x80xf32>
    %logistic3A_87 = math.exp %logistic3A_86 : vector<1024x80xf32>
    %logistic3A_88 = arith.constant 1.000000e+00 : f32
    %logistic3A_89 = vector.broadcast %logistic3A_88 : f32 to vector<1024x80xf32>
    %logistic3A_90 = arith.addf %logistic3A_89, %logistic3A_87 : vector<1024x80xf32>
    %logistic3A_91 = arith.divf %logistic3A_89, %logistic3A_90 : vector<1024x80xf32>
    %sub3A_92 = arith.constant 1.000000e+00 : f32
    %sub3A_93 = vector.broadcast %sub3A_92 : f32 to vector<1024x80xf32>
    %sub3A_94 = arith.subf %sub3A_93, %logistic3A_91 : vector<1024x80xf32>
    %get3A_95 = arith.constant 0 : index
    %get3A_96 = arith.constant 0 : index
    %get3A_97 = vector.load %arg10[%get3A_95, %get3A_96] : memref<1x80xf32, #tpu.memory_space<vmem>>, vector<1x80xf32>
    %mul3A_98 = vector.broadcast %get3A_97 : vector<1x80xf32> to vector<1024x80xf32>
    %mul3A_99 = arith.mulf %sub3A_94, %mul3A_98 : vector<1024x80xf32>
    %add3A_100 = arith.addf %logistic3A_91, %mul3A_99 : vector<1024x80xf32>
    %mul3A_101 = arith.mulf %add3A_62, %add3A_100 : vector<1024x80xf32>
    %get3A_102 = arith.constant 0 : index
    %get3A_103 = arith.constant 0 : index
    %get3A_104 = vector.load %arg11[%get3A_102, %get3A_103] : memref<80x2xf32, #tpu.memory_space<vmem>>, vector<80x2xf32>
    %dot_general3A_105 = arith.constant dense<0.000000e+00> : vector<1024x2xf32>
    %dot_general3A_106 = tpu.matmul %mul3A_101, %get3A_104, %dot_general3A_105 {dimension_numbers = #tpu.dot_dimension_numbers<[1], [0], [0], [1], [0, 0, 1, 1], [], []>, transpose_lhs_hint = false} : vector<1024x80xf32>, vector<80x2xf32>, vector<1024x2xf32> -> vector<1024x2xf32>
    %get3A_107 = arith.constant 0 : index
    %get3A_108 = arith.constant 0 : index
    %get3A_109 = vector.load %arg12[%get3A_107, %get3A_108] : memref<1x2xf32, #tpu.memory_space<vmem>>, vector<1x2xf32>
    %add3A_110 = vector.broadcast %get3A_109 : vector<1x2xf32> to vector<1024x2xf32>
    %add3A_111 = arith.addf %dot_general3A_106, %add3A_110 : vector<1024x2xf32>
    %reduce_max3A = arith.constant dense<0xFF800000> : vector<1024xf32>
    %reduce_max3A_112 = vector.multi_reduction <maximumf>, %add3A_111, %reduce_max3A [1] : vector<1024x2xf32> to vector<1024xf32>
    %broadcast_in_dim3A_113 = vector.shape_cast %reduce_max3A_112 : vector<1024xf32> to vector<1024x1xf32>
    %sub3A_114 = vector.broadcast %broadcast_in_dim3A_113 : vector<1024x1xf32> to vector<1024x2xf32>
    %sub3A_115 = arith.subf %add3A_111, %sub3A_114 : vector<1024x2xf32>
    %exp3A = math.exp %sub3A_115 : vector<1024x2xf32>
    %reduce_sum3A_116 = arith.constant dense<0.000000e+00> : vector<1024xf32>
    %reduce_sum3A_117 = vector.multi_reduction <add>, %exp3A, %reduce_sum3A_116 [1] : vector<1024x2xf32> to vector<1024xf32>
    %broadcast_in_dim3A_118 = vector.shape_cast %reduce_sum3A_117 : vector<1024xf32> to vector<1024x1xf32>
    %div3A_119 = vector.broadcast %broadcast_in_dim3A_118 : vector<1024x1xf32> to vector<1024x2xf32>
    %div3A_120 = arith.divf %exp3A, %div3A_119 : vector<1024x2xf32>
    %swap3A = arith.constant 0 : index
    %swap3A_121 = arith.constant 0 : index
    %swap3A_122 = vector.load %arg13[%swap3A, %swap3A_121] : memref<1024x2xf32, #tpu.memory_space<vmem>>, vector<1024x2xf32>
    tpu.vector_store %arg13[%swap3A, %swap3A_121], %div3A_120 {strides = array<i32>} : memref<1024x2xf32, #tpu.memory_space<vmem>>, vector<1024x2xf32>,
    return
  }
}

module attributes {stable_mosaic.version = 14 : i64} {
  func.func @_attn_kernel(%arg0: i32, %arg1: memref<64x32xf32, #tpu.memory_space<vmem>>, %arg2: memref<64x32xf32, #tpu.memory_space<vmem>>, %arg3: memref<3200x128xf32, #tpu.memory_space<vmem>>, %arg4: memref<3200x128xf32, #tpu.memory_space<vmem>>, %arg5: memref<3200x4xf32, #tpu.memory_space<vmem>>, %arg6: memref<512x144xf32, #tpu.memory_space<vmem>>, %arg7: memref<64x36xf32, #tpu.memory_space<vmem>>, %arg8: memref<36x144xf32, #tpu.memory_space<vmem>>, %arg9: memref<32x128xf32, #tpu.memory_space<vmem>>, %arg10: memref<3200x64xf32, #tpu.memory_space<vmem>>, %arg11: memref<64x3200xf32, #tpu.memory_space<vmem>>, %arg12: memref<144x4xf32, #tpu.memory_space<vmem>>, %arg13: memref<4x128xf32, #tpu.memory_space<vmem>>, %arg14: memref<128x128xf32, #tpu.memory_space<vmem>>, %arg15: memref<128x128xf32, #tpu.memory_space<vmem>>, %arg16: memref<1x144xf32, #tpu.memory_space<vmem>>, %arg17: memref<1x144xf32, #tpu.memory_space<vmem>>, %arg18: memref<1x4xf32, #tpu.memory_space<vmem>>, %arg19: memref<64x128xf32, #tpu.memory_space<vmem>>, %arg20: memref<1x144xf32, #tpu.memory_space<vmem>>, %arg21: memref<1x144xf32, #tpu.memory_space<vmem>>) attributes {dimension_semantics = [#tpu.dimension_semantics<arbitrary>], iteration_bounds = array<i64: 32>, scalar_prefetch = 0 : i64, scratch_operands = 2 : i64, tpu.core_type = #tpu.core_type<tc>, window_params = [{transform_indices = @transform_0, window_bounds = array<i64: 64, 32>}, {transform_indices = @transform_1, window_bounds = array<i64: 64, 32>}, {transform_indices = @transform_2, window_bounds = array<i64: 3200, 128>}, {transform_indices = @transform_3, window_bounds = array<i64: 3200, 128>}, {transform_indices = @transform_4, window_bounds = array<i64: 3200, 4>}, {pipeline_mode = #tpu.pipeline_mode<synchronous>, transform_indices = @transform_5, window_bounds = array<i64: 512, 144>}, {pipeline_mode = #tpu.pipeline_mode<synchronous>, transform_indices = @transform_6, window_bounds = array<i64: 64, 36>}, {pipeline_mode = #tpu.pipeline_mode<synchronous>, transform_indices = @transform_7, window_bounds = array<i64: 36, 144>}, {pipeline_mode = #tpu.pipeline_mode<synchronous>, transform_indices = @transform_8, window_bounds = array<i64: 32, 128>}, {pipeline_mode = #tpu.pipeline_mode<synchronous>, transform_indices = @transform_9, window_bounds = array<i64: 3200, 64>}, {pipeline_mode = #tpu.pipeline_mode<synchronous>, transform_indices = @transform_10, window_bounds = array<i64: 64, 3200>}, {pipeline_mode = #tpu.pipeline_mode<synchronous>, transform_indices = @transform_11, window_bounds = array<i64: 144, 4>}, {pipeline_mode = #tpu.pipeline_mode<synchronous>, transform_indices = @transform_12, window_bounds = array<i64: 4, 128>}, {pipeline_mode = #tpu.pipeline_mode<synchronous>, transform_indices = @transform_13, window_bounds = array<i64: 128, 128>}, {pipeline_mode = #tpu.pipeline_mode<synchronous>, transform_indices = @transform_14, window_bounds = array<i64: 128, 128>}, {pipeline_mode = #tpu.pipeline_mode<synchronous>, transform_indices = @transform_15, window_bounds = array<i64: 1, 144>}, {pipeline_mode = #tpu.pipeline_mode<synchronous>, transform_indices = @transform_16, window_bounds = array<i64: 1, 144>}, {pipeline_mode = #tpu.pipeline_mode<synchronous>, transform_indices = @transform_17, window_bounds = array<i64: 1, 4>}, {transform_indices = @transform_18, window_bounds = array<i64: 64, 128>}]} {
    %get3A = arith.constant 0 : index
    %get3A_0 = arith.constant 0 : index
    %get3A_1 = vector.load %arg1[%get3A, %get3A_0] : memref<64x32xf32, #tpu.memory_space<vmem>>, vector<64x32xf32>
    %get3A_2 = arith.constant 0 : index
    %get3A_3 = arith.constant 0 : index
    %get3A_4 = vector.load %arg2[%get3A_2, %get3A_3] : memref<64x32xf32, #tpu.memory_space<vmem>>, vector<64x32xf32>
    %get3A_5 = arith.constant 0 : index
    %get3A_6 = arith.constant 0 : index
    %get3A_7 = vector.load %arg3[%get3A_5, %get3A_6] : memref<3200x128xf32, #tpu.memory_space<vmem>>, vector<3200x128xf32>
    %get3A_8 = arith.constant 0 : index
    %get3A_9 = arith.constant 0 : index
    %get3A_10 = vector.load %arg4[%get3A_8, %get3A_9] : memref<3200x128xf32, #tpu.memory_space<vmem>>, vector<3200x128xf32>
    %get3A_11 = arith.constant 0 : index
    %get3A_12 = arith.constant 0 : index
    %get3A_13 = vector.load %arg10[%get3A_11, %get3A_12] : memref<3200x64xf32, #tpu.memory_space<vmem>>, vector<3200x64xf32>
    %get3A_14 = arith.constant 0 : index
    %get3A_15 = arith.constant 0 : index
    %get3A_16 = vector.load %arg7[%get3A_14, %get3A_15] : memref<64x36xf32, #tpu.memory_space<vmem>>, vector<64x36xf32>
    %slice3A = vector.extract_strided_slice %get3A_16 {offsets = [0, 0], sizes = [32, 36], strides = [1, 1]} : vector<64x36xf32> to vector<32x36xf32>
    %dot_general3A = arith.constant dense<0.000000e+00> : vector<64x36xf32>
    %dot_general3A_17 = tpu.matmul %get3A_1, %slice3A, %dot_general3A {dimension_numbers = #tpu.dot_dimension_numbers<[1], [0], [0], [1], [0, 0, 1, 1], [], []>, transpose_lhs_hint = false} : vector<64x32xf32>, vector<32x36xf32>, vector<64x36xf32> -> vector<64x36xf32>
    %slice3A_18 = vector.extract_strided_slice %get3A_16 {offsets = [32, 0], sizes = [32, 36], strides = [1, 1]} : vector<64x36xf32> to vector<32x36xf32>
    %dot_general3A_19 = arith.constant dense<0.000000e+00> : vector<64x36xf32>
    %dot_general3A_20 = tpu.matmul %get3A_4, %slice3A_18, %dot_general3A_19 {dimension_numbers = #tpu.dot_dimension_numbers<[1], [0], [0], [1], [0, 0, 1, 1], [], []>, transpose_lhs_hint = false} : vector<64x32xf32>, vector<32x36xf32>, vector<64x36xf32> -> vector<64x36xf32>
    %add3A = arith.addf %dot_general3A_17, %dot_general3A_20 : vector<64x36xf32>
    %get3A_21 = arith.constant 0 : index
    %get3A_22 = arith.constant 0 : index
    %get3A_23 = vector.load %arg8[%get3A_21, %get3A_22] : memref<36x144xf32, #tpu.memory_space<vmem>>, vector<36x144xf32>
    %dot_general3A_24 = arith.constant dense<0.000000e+00> : vector<64x144xf32>
    %dot_general3A_25 = tpu.matmul %add3A, %get3A_23, %dot_general3A_24 {dimension_numbers = #tpu.dot_dimension_numbers<[1], [0], [0], [1], [0, 0, 1, 1], [], []>, transpose_lhs_hint = false} : vector<64x36xf32>, vector<36x144xf32>, vector<64x144xf32> -> vector<64x144xf32>
    %dot_general3A_26 = arith.constant dense<0.000000e+00> : vector<3200x144xf32>
    %dot_general3A_27 = tpu.matmul %get3A_13, %dot_general3A_25, %dot_general3A_26 {dimension_numbers = #tpu.dot_dimension_numbers<[1], [0], [0], [1], [0, 0, 1, 1], [], []>, transpose_lhs_hint = false} : vector<3200x64xf32>, vector<64x144xf32>, vector<3200x144xf32> -> vector<3200x144xf32>
    %get3A_28 = arith.constant 0 : index
    %get3A_29 = arith.constant 0 : index
    %get3A_30 = vector.load %arg9[%get3A_28, %get3A_29] : memref<32x128xf32, #tpu.memory_space<vmem>>, vector<32x128xf32>
    %dot_general3A_31 = arith.constant dense<0.000000e+00> : vector<64x128xf32>
    %dot_general3A_32 = tpu.matmul %get3A_1, %get3A_30, %dot_general3A_31 {dimension_numbers = #tpu.dot_dimension_numbers<[1], [0], [0], [1], [0, 0, 1, 1], [], []>, transpose_lhs_hint = false} : vector<64x32xf32>, vector<32x128xf32>, vector<64x128xf32> -> vector<64x128xf32>
    %get3A_33 = arith.constant 0 : index
    %get3A_34 = arith.constant 0 : index
    %get3A_35 = vector.load %arg9[%get3A_33, %get3A_34] : memref<32x128xf32, #tpu.memory_space<vmem>>, vector<32x128xf32>
    %dot_general3A_36 = arith.constant dense<0.000000e+00> : vector<64x128xf32>
    %dot_general3A_37 = tpu.matmul %get3A_4, %get3A_35, %dot_general3A_36 {dimension_numbers = #tpu.dot_dimension_numbers<[1], [0], [0], [1], [0, 0, 1, 1], [], []>, transpose_lhs_hint = false} : vector<64x32xf32>, vector<32x128xf32>, vector<64x128xf32> -> vector<64x128xf32>
    %dot_general3A_38 = arith.constant dense<0.000000e+00> : vector<3200x128xf32>
    %dot_general3A_39 = tpu.matmul %get3A_13, %dot_general3A_32, %dot_general3A_38 {dimension_numbers = #tpu.dot_dimension_numbers<[1], [0], [0], [1], [0, 0, 1, 1], [], []>, transpose_lhs_hint = false} : vector<3200x64xf32>, vector<64x128xf32>, vector<3200x128xf32> -> vector<3200x128xf32>
    %dot_general3A_40 = arith.constant dense<0.000000e+00> : vector<3200x128xf32>
    %dot_general3A_41 = tpu.matmul %get3A_13, %dot_general3A_37, %dot_general3A_40 {dimension_numbers = #tpu.dot_dimension_numbers<[1], [0], [0], [1], [0, 0, 1, 1], [], []>, transpose_lhs_hint = false} : vector<3200x64xf32>, vector<64x128xf32>, vector<3200x128xf32> -> vector<3200x128xf32>
    %mul3A = arith.mulf %get3A_7, %dot_general3A_39 : vector<3200x128xf32>
    %mul3A_42 = arith.mulf %get3A_10, %dot_general3A_41 : vector<3200x128xf32>
    %convert_element_type3A = arith.truncf %get3A_7 : vector<3200x128xf32> to vector<3200x128xbf16>
    %convert_element_type3A_43 = arith.truncf %get3A_10 : vector<3200x128xf32> to vector<3200x128xbf16>
    %convert_element_type3A_44 = arith.truncf %mul3A : vector<3200x128xf32> to vector<3200x128xbf16>
    %convert_element_type3A_45 = arith.truncf %mul3A_42 : vector<3200x128xf32> to vector<3200x128xbf16>
    %concatenate3A = tpu.concatenate %convert_element_type3A, %convert_element_type3A_43, %convert_element_type3A_44, %convert_element_type3A_45 in 1 : vector<3200x128xbf16>, vector<3200x128xbf16>, vector<3200x128xbf16>, vector<3200x128xbf16> -> vector<3200x512xbf16>
    %get3A_46 = arith.constant 0 : index
    %get3A_47 = arith.constant 0 : index
    %get3A_48 = vector.load %arg6[%get3A_46, %get3A_47] : memref<512x144xf32, #tpu.memory_space<vmem>>, vector<512x144xf32>
    %convert_element_type3A_49 = arith.truncf %get3A_48 : vector<512x144xf32> to vector<512x144xbf16>
    %dot_general3A_50 = arith.constant dense<0.000000e+00> : vector<3200x144xf32>
    %dot_general3A_51 = tpu.matmul %concatenate3A, %convert_element_type3A_49, %dot_general3A_50 {dimension_numbers = #tpu.dot_dimension_numbers<[1], [0], [0], [1], [0, 0, 1, 1], [], []>, transpose_lhs_hint = false} : vector<3200x512xbf16>, vector<512x144xbf16>, vector<3200x144xf32> -> vector<3200x144xf32>
    %add3A_52 = arith.addf %dot_general3A_51, %dot_general3A_27 : vector<3200x144xf32>
    %get3A_53 = arith.constant 0 : index
    %get3A_54 = arith.constant 0 : index
    %get3A_55 = vector.load %arg16[%get3A_53, %get3A_54] : memref<1x144xf32, #tpu.memory_space<vmem>>, vector<1x144xf32>
    %add3A_56 = vector.broadcast %get3A_55 : vector<1x144xf32> to vector<3200x144xf32>
    %add3A_57 = arith.addf %add3A_52, %add3A_56 : vector<3200x144xf32>
    %eq3A = arith.constant 0 : i32
    %eq3A_58 = arith.cmpi eq, %arg0, %eq3A : i32
    %convert_element_type3A_59 = arith.extui %eq3A_58 : i1 to i32
    %cond3A = arith.constant 0 : i32
    %cond3A_60 = arith.cmpi ne, %convert_element_type3A_59, %cond3A : i32
    scf.if %cond3A_60 {
      %broadcast_in_dim3A = arith.constant 0.000000e+00 : f32
      %broadcast_in_dim3A_69 = vector.broadcast %broadcast_in_dim3A : f32 to vector<1x144xf32>
      %swap3A = arith.constant 0 : index
      %swap3A_70 = arith.constant 0 : index
      %swap3A_71 = vector.load %arg20[%swap3A, %swap3A_70] : memref<1x144xf32, #tpu.memory_space<vmem>>, vector<1x144xf32>
      tpu.vector_store %arg20[%swap3A, %swap3A_70], %broadcast_in_dim3A_69 {strides = array<i32>} : memref<1x144xf32, #tpu.memory_space<vmem>>, vector<1x144xf32>,
      %broadcast_in_dim3A_72 = arith.constant 0.000000e+00 : f32
      %broadcast_in_dim3A_73 = vector.broadcast %broadcast_in_dim3A_72 : f32 to vector<1x144xf32>
      %swap3A_74 = arith.constant 0 : index
      %swap3A_75 = arith.constant 0 : index
      %swap3A_76 = vector.load %arg21[%swap3A_74, %swap3A_75] : memref<1x144xf32, #tpu.memory_space<vmem>>, vector<1x144xf32>
      tpu.vector_store %arg21[%swap3A_74, %swap3A_75], %broadcast_in_dim3A_73 {strides = array<i32>} : memref<1x144xf32, #tpu.memory_space<vmem>>, vector<1x144xf32>,
    } else {
    }
    %lt3A = arith.constant 16 : i32
    %lt3A_61 = arith.cmpi slt, %arg0, %lt3A : i32
    %convert_element_type3A_62 = arith.extui %lt3A_61 : i1 to i32
    %cond3A_63 = arith.constant 0 : i32
    %cond3A_64 = arith.cmpi ne, %convert_element_type3A_62, %cond3A_63 : i32
    scf.if %cond3A_64 {
      %get3A_69 = arith.constant 0 : index
      %get3A_70 = arith.constant 0 : index
      %get3A_71 = vector.load %arg20[%get3A_69, %get3A_70] : memref<1x144xf32, #tpu.memory_space<vmem>>, vector<1x144xf32>
      %reduce_sum3A = arith.constant dense<0.000000e+00> : vector<144xf32>
      %reduce_sum3A_72 = vector.multi_reduction <add>, %add3A_57, %reduce_sum3A [0] : vector<3200x144xf32> to vector<144xf32>
      %broadcast_in_dim3A = vector.shape_cast %reduce_sum3A_72 : vector<144xf32> to vector<1x144xf32>
      %add3A_73 = arith.addf %get3A_71, %broadcast_in_dim3A : vector<1x144xf32>
      %swap3A = arith.constant 0 : index
      %swap3A_74 = arith.constant 0 : index
      %swap3A_75 = vector.load %arg20[%swap3A, %swap3A_74] : memref<1x144xf32, #tpu.memory_space<vmem>>, vector<1x144xf32>
      tpu.vector_store %arg20[%swap3A, %swap3A_74], %add3A_73 {strides = array<i32>} : memref<1x144xf32, #tpu.memory_space<vmem>>, vector<1x144xf32>,
      %get3A_76 = arith.constant 0 : index
      %get3A_77 = arith.constant 0 : index
      %get3A_78 = vector.load %arg21[%get3A_76, %get3A_77] : memref<1x144xf32, #tpu.memory_space<vmem>>, vector<1x144xf32>
      %mul3A_79 = arith.mulf %add3A_57, %add3A_57 : vector<3200x144xf32>
      %reduce_sum3A_80 = arith.constant dense<0.000000e+00> : vector<144xf32>
      %reduce_sum3A_81 = vector.multi_reduction <add>, %mul3A_79, %reduce_sum3A_80 [0] : vector<3200x144xf32> to vector<144xf32>
      %broadcast_in_dim3A_82 = vector.shape_cast %reduce_sum3A_81 : vector<144xf32> to vector<1x144xf32>
      %add3A_83 = arith.addf %get3A_78, %broadcast_in_dim3A_82 : vector<1x144xf32>
      %swap3A_84 = arith.constant 0 : index
      %swap3A_85 = arith.constant 0 : index
      %swap3A_86 = vector.load %arg21[%swap3A_84, %swap3A_85] : memref<1x144xf32, #tpu.memory_space<vmem>>, vector<1x144xf32>
      tpu.vector_store %arg21[%swap3A_84, %swap3A_85], %add3A_83 {strides = array<i32>} : memref<1x144xf32, #tpu.memory_space<vmem>>, vector<1x144xf32>,
      %broadcast_in_dim3A_87 = arith.constant 0.000000e+00 : f32
      %broadcast_in_dim3A_88 = vector.broadcast %broadcast_in_dim3A_87 : f32 to vector<64x128xf32>
      %swap3A_89 = arith.constant 0 : index
      %swap3A_90 = arith.constant 0 : index
      %swap3A_91 = vector.load %arg19[%swap3A_89, %swap3A_90] : memref<64x128xf32, #tpu.memory_space<vmem>>, vector<64x128xf32>
      tpu.vector_store %arg19[%swap3A_89, %swap3A_90], %broadcast_in_dim3A_88 {strides = array<i32>} : memref<64x128xf32, #tpu.memory_space<vmem>>, vector<64x128xf32>,
    } else {
    }
    %ge3A = arith.constant 16 : i32
    %ge3A_65 = arith.cmpi sge, %arg0, %ge3A : i32
    %convert_element_type3A_66 = arith.extui %ge3A_65 : i1 to i32
    %cond3A_67 = arith.constant 0 : i32
    %cond3A_68 = arith.cmpi ne, %convert_element_type3A_66, %cond3A_67 : i32
    scf.if %cond3A_68 {
      %get3A_69 = arith.constant 0 : index
      %get3A_70 = arith.constant 0 : index
      %get3A_71 = vector.load %arg8[%get3A_69, %get3A_70] : memref<36x144xf32, #tpu.memory_space<vmem>>, vector<36x144xf32>
      %get3A_72 = arith.constant 0 : index
      %get3A_73 = arith.constant 0 : index
      %get3A_74 = vector.load %arg20[%get3A_72, %get3A_73] : memref<1x144xf32, #tpu.memory_space<vmem>>, vector<1x144xf32>
      %transpose3A = tpu.transpose %get3A_71, [1, 0] : vector<36x144xf32> -> vector<144x36xf32>
      %dot_general3A_75 = arith.constant dense<0.000000e+00> : vector<1x36xf32>
      %dot_general3A_76 = tpu.matmul %get3A_74, %transpose3A, %dot_general3A_75 {dimension_numbers = #tpu.dot_dimension_numbers<[1], [0], [0], [1], [0, 0, 1, 1], [], []>, transpose_lhs_hint = false} : vector<1x144xf32>, vector<144x36xf32>, vector<1x36xf32> -> vector<1x36xf32>
      %get3A_77 = arith.constant 0 : index
      %get3A_78 = arith.constant 0 : index
      %get3A_79 = vector.load %arg21[%get3A_77, %get3A_78] : memref<1x144xf32, #tpu.memory_space<vmem>>, vector<1x144xf32>
      %transpose3A_80 = tpu.transpose %get3A_71, [1, 0] : vector<36x144xf32> -> vector<144x36xf32>
      %dot_general3A_81 = arith.constant dense<0.000000e+00> : vector<1x36xf32>
      %dot_general3A_82 = tpu.matmul %get3A_79, %transpose3A_80, %dot_general3A_81 {dimension_numbers = #tpu.dot_dimension_numbers<[1], [0], [0], [1], [0, 0, 1, 1], [], []>, transpose_lhs_hint = false} : vector<1x144xf32>, vector<144x36xf32>, vector<1x36xf32> -> vector<1x36xf32>
      %div3A = arith.constant 2.048000e+05 : f32
      %div3A_83 = vector.broadcast %div3A : f32 to vector<1x36xf32>
      %div3A_84 = arith.divf %dot_general3A_76, %div3A_83 : vector<1x36xf32>
      %div3A_85 = arith.constant 2.048000e+05 : f32
      %div3A_86 = vector.broadcast %div3A_85 : f32 to vector<1x36xf32>
      %div3A_87 = arith.divf %dot_general3A_82, %div3A_86 : vector<1x36xf32>
      %mul3A_88 = arith.mulf %div3A_84, %div3A_84 : vector<1x36xf32>
      %sub3A = arith.subf %div3A_87, %mul3A_88 : vector<1x36xf32>
      %dot_general3A_89 = arith.constant dense<0.000000e+00> : vector<1x144xf32>
      %dot_general3A_90 = tpu.matmul %div3A_84, %get3A_71, %dot_general3A_89 {dimension_numbers = #tpu.dot_dimension_numbers<[1], [0], [0], [1], [0, 0, 1, 1], [], []>, transpose_lhs_hint = false} : vector<1x36xf32>, vector<36x144xf32>, vector<1x144xf32> -> vector<1x144xf32>
      %dot_general3A_91 = arith.constant dense<0.000000e+00> : vector<1x144xf32>
      %dot_general3A_92 = tpu.matmul %sub3A, %get3A_71, %dot_general3A_91 {dimension_numbers = #tpu.dot_dimension_numbers<[1], [0], [0], [1], [0, 0, 1, 1], [], []>, transpose_lhs_hint = false} : vector<1x36xf32>, vector<36x144xf32>, vector<1x144xf32> -> vector<1x144xf32>
      %sub3A_93 = vector.broadcast %dot_general3A_90 : vector<1x144xf32> to vector<3200x144xf32>
      %sub3A_94 = arith.subf %add3A_57, %sub3A_93 : vector<3200x144xf32>
      %add3A_95 = arith.constant 9.99999993E-9 : f32
      %add3A_96 = vector.broadcast %add3A_95 : f32 to vector<1x144xf32>
      %add3A_97 = arith.addf %dot_general3A_92, %add3A_96 : vector<1x144xf32>
      %rsqrt3A = math.rsqrt %add3A_97 : vector<1x144xf32>
      %mul3A_98 = vector.broadcast %rsqrt3A : vector<1x144xf32> to vector<3200x144xf32>
      %mul3A_99 = arith.mulf %sub3A_94, %mul3A_98 : vector<3200x144xf32>
      %logistic3A = arith.negf %mul3A_99 : vector<3200x144xf32>
      %logistic3A_100 = math.exp %logistic3A : vector<3200x144xf32>
      %logistic3A_101 = arith.constant 1.000000e+00 : f32
      %logistic3A_102 = vector.broadcast %logistic3A_101 : f32 to vector<3200x144xf32>
      %logistic3A_103 = arith.addf %logistic3A_102, %logistic3A_100 : vector<3200x144xf32>
      %logistic3A_104 = arith.divf %logistic3A_102, %logistic3A_103 : vector<3200x144xf32>
      %sub3A_105 = arith.constant 1.000000e+00 : f32
      %sub3A_106 = vector.broadcast %sub3A_105 : f32 to vector<3200x144xf32>
      %sub3A_107 = arith.subf %sub3A_106, %logistic3A_104 : vector<3200x144xf32>
      %get3A_108 = arith.constant 0 : index
      %get3A_109 = arith.constant 0 : index
      %get3A_110 = vector.load %arg17[%get3A_108, %get3A_109] : memref<1x144xf32, #tpu.memory_space<vmem>>, vector<1x144xf32>
      %mul3A_111 = vector.broadcast %get3A_110 : vector<1x144xf32> to vector<3200x144xf32>
      %mul3A_112 = arith.mulf %sub3A_107, %mul3A_111 : vector<3200x144xf32>
      %add3A_113 = arith.addf %logistic3A_104, %mul3A_112 : vector<3200x144xf32>
      %mul3A_114 = arith.mulf %add3A_57, %add3A_113 : vector<3200x144xf32>
      %get3A_115 = arith.constant 0 : index
      %get3A_116 = arith.constant 0 : index
      %get3A_117 = vector.load %arg12[%get3A_115, %get3A_116] : memref<144x4xf32, #tpu.memory_space<vmem>>, vector<144x4xf32>
      %dot_general3A_118 = arith.constant dense<0.000000e+00> : vector<3200x4xf32>
      %dot_general3A_119 = tpu.matmul %mul3A_114, %get3A_117, %dot_general3A_118 {dimension_numbers = #tpu.dot_dimension_numbers<[1], [0], [0], [1], [0, 0, 1, 1], [], []>, transpose_lhs_hint = false} : vector<3200x144xf32>, vector<144x4xf32>, vector<3200x4xf32> -> vector<3200x4xf32>
      %get3A_120 = arith.constant 0 : index
      %get3A_121 = arith.constant 0 : index
      %get3A_122 = vector.load %arg18[%get3A_120, %get3A_121] : memref<1x4xf32, #tpu.memory_space<vmem>>, vector<1x4xf32>
      %add3A_123 = vector.broadcast %get3A_122 : vector<1x4xf32> to vector<3200x4xf32>
      %add3A_124 = arith.addf %dot_general3A_119, %add3A_123 : vector<3200x4xf32>
      %get3A_125 = arith.constant 0 : index
      %get3A_126 = arith.constant 0 : index
      %get3A_127 = vector.load %arg5[%get3A_125, %get3A_126] : memref<3200x4xf32, #tpu.memory_space<vmem>>, vector<3200x4xf32>
      %mul3A_128 = arith.mulf %add3A_124, %get3A_127 : vector<3200x4xf32>
      %get3A_129 = arith.constant 0 : index
      %get3A_130 = arith.constant 0 : index
      %get3A_131 = vector.load %arg13[%get3A_129, %get3A_130] : memref<4x128xf32, #tpu.memory_space<vmem>>, vector<4x128xf32>
      %dot_general3A_132 = arith.constant dense<0.000000e+00> : vector<3200x128xf32>
      %dot_general3A_133 = tpu.matmul %mul3A_128, %get3A_131, %dot_general3A_132 {dimension_numbers = #tpu.dot_dimension_numbers<[1], [0], [0], [1], [0, 0, 1, 1], [], []>, transpose_lhs_hint = false} : vector<3200x4xf32>, vector<4x128xf32>, vector<3200x128xf32> -> vector<3200x128xf32>
      %get3A_134 = arith.constant 0 : index
      %get3A_135 = arith.constant 0 : index
      %get3A_136 = vector.load %arg11[%get3A_134, %get3A_135] : memref<64x3200xf32, #tpu.memory_space<vmem>>, vector<64x3200xf32>
      %mul3A_137 = arith.mulf %dot_general3A_133, %get3A_7 : vector<3200x128xf32>
      %dot_general3A_138 = arith.constant dense<0.000000e+00> : vector<64x128xf32>
      %dot_general3A_139 = tpu.matmul %get3A_136, %mul3A_137, %dot_general3A_138 {dimension_numbers = #tpu.dot_dimension_numbers<[1], [0], [0], [1], [0, 0, 1, 1], [], []>, transpose_lhs_hint = false} : vector<64x3200xf32>, vector<3200x128xf32>, vector<64x128xf32> -> vector<64x128xf32>
      %mul3A_140 = arith.mulf %dot_general3A_133, %get3A_10 : vector<3200x128xf32>
      %dot_general3A_141 = arith.constant dense<0.000000e+00> : vector<64x128xf32>
      %dot_general3A_142 = tpu.matmul %get3A_136, %mul3A_140, %dot_general3A_141 {dimension_numbers = #tpu.dot_dimension_numbers<[1], [0], [0], [1], [0, 0, 1, 1], [], []>, transpose_lhs_hint = false} : vector<64x3200xf32>, vector<3200x128xf32>, vector<64x128xf32> -> vector<64x128xf32>
      %get3A_143 = arith.constant 0 : index
      %get3A_144 = arith.constant 0 : index
      %get3A_145 = vector.load %arg14[%get3A_143, %get3A_144] : memref<128x128xf32, #tpu.memory_space<vmem>>, vector<128x128xf32>
      %dot_general3A_146 = arith.constant dense<0.000000e+00> : vector<64x128xf32>
      %dot_general3A_147 = tpu.matmul %dot_general3A_139, %get3A_145, %dot_general3A_146 {dimension_numbers = #tpu.dot_dimension_numbers<[1], [0], [0], [1], [0, 0, 1, 1], [], []>, transpose_lhs_hint = false} : vector<64x128xf32>, vector<128x128xf32>, vector<64x128xf32> -> vector<64x128xf32>
      %get3A_148 = arith.constant 0 : index
      %get3A_149 = arith.constant 0 : index
      %get3A_150 = vector.load %arg15[%get3A_148, %get3A_149] : memref<128x128xf32, #tpu.memory_space<vmem>>, vector<128x128xf32>
      %dot_general3A_151 = arith.constant dense<0.000000e+00> : vector<64x128xf32>
      %dot_general3A_152 = tpu.matmul %dot_general3A_142, %get3A_150, %dot_general3A_151 {dimension_numbers = #tpu.dot_dimension_numbers<[1], [0], [0], [1], [0, 0, 1, 1], [], []>, transpose_lhs_hint = false} : vector<64x128xf32>, vector<128x128xf32>, vector<64x128xf32> -> vector<64x128xf32>
      %add3A_153 = arith.addf %dot_general3A_147, %dot_general3A_152 : vector<64x128xf32>
      %swap3A = arith.constant 0 : index
      %swap3A_154 = arith.constant 0 : index
      %swap3A_155 = vector.load %arg19[%swap3A, %swap3A_154] : memref<64x128xf32, #tpu.memory_space<vmem>>, vector<64x128xf32>
      tpu.vector_store %arg19[%swap3A, %swap3A_154], %add3A_153 {strides = array<i32>} : memref<64x128xf32, #tpu.memory_space<vmem>>, vector<64x128xf32>,
    } else {
    }
    return
  }
  func.func @transform_0(%arg0: i32) -> (i32, i32) {
    %jit3A = arith.constant 16 : i32
    %eq3A = arith.constant 0 : i32
    %eq3A_0 = arith.cmpi eq, %jit3A, %eq3A : i32
    %jit3A_1 = arith.constant 1 : i32
    %select_n3A = arith.select %eq3A_0, %jit3A_1, %jit3A : i32
    %rem3A = arith.remsi %arg0, %select_n3A : i32
    %ne3A = arith.constant 0 : i32
    %ne3A_2 = arith.cmpi ne, %rem3A, %ne3A : i32
    %lt3A = arith.constant 0 : i32
    %lt3A_3 = arith.cmpi slt, %rem3A, %lt3A : i32
    %lt3A_4 = arith.constant 0 : i32
    %lt3A_5 = arith.cmpi slt, %select_n3A, %lt3A_4 : i32
    %ne3A_6 = arith.xori %lt3A_3, %lt3A_5 : i1
    %and3A = arith.andi %ne3A_6, %ne3A_2 : i1
    %add3A = arith.addi %rem3A, %select_n3A : i32
    %select_n3A_7 = arith.select %and3A, %add3A, %rem3A : i32
    %c0_i32 = arith.constant 0 : i32
    %c0_i32_8 = arith.constant 0 : i32
    return %select_n3A_7, %c0_i32 : i32, i32
  }
  func.func @transform_1(%arg0: i32) -> (i32, i32) {
    %jit3A = arith.constant 16 : i32
    %eq3A = arith.constant 0 : i32
    %eq3A_0 = arith.cmpi eq, %jit3A, %eq3A : i32
    %jit3A_1 = arith.constant 1 : i32
    %select_n3A = arith.select %eq3A_0, %jit3A_1, %jit3A : i32
    %rem3A = arith.remsi %arg0, %select_n3A : i32
    %ne3A = arith.constant 0 : i32
    %ne3A_2 = arith.cmpi ne, %rem3A, %ne3A : i32
    %lt3A = arith.constant 0 : i32
    %lt3A_3 = arith.cmpi slt, %rem3A, %lt3A : i32
    %lt3A_4 = arith.constant 0 : i32
    %lt3A_5 = arith.cmpi slt, %select_n3A, %lt3A_4 : i32
    %ne3A_6 = arith.xori %lt3A_3, %lt3A_5 : i1
    %and3A = arith.andi %ne3A_6, %ne3A_2 : i1
    %add3A = arith.addi %rem3A, %select_n3A : i32
    %select_n3A_7 = arith.select %and3A, %add3A, %rem3A : i32
    %c0_i32 = arith.constant 0 : i32
    %c0_i32_8 = arith.constant 0 : i32
    return %select_n3A_7, %c0_i32 : i32, i32
  }
  func.func @transform_2(%arg0: i32) -> (i32, i32) {
    %jit3A = arith.constant 16 : i32
    %eq3A = arith.constant 0 : i32
    %eq3A_0 = arith.cmpi eq, %jit3A, %eq3A : i32
    %jit3A_1 = arith.constant 1 : i32
    %select_n3A = arith.select %eq3A_0, %jit3A_1, %jit3A : i32
    %rem3A = arith.remsi %arg0, %select_n3A : i32
    %ne3A = arith.constant 0 : i32
    %ne3A_2 = arith.cmpi ne, %rem3A, %ne3A : i32
    %lt3A = arith.constant 0 : i32
    %lt3A_3 = arith.cmpi slt, %rem3A, %lt3A : i32
    %lt3A_4 = arith.constant 0 : i32
    %lt3A_5 = arith.cmpi slt, %select_n3A, %lt3A_4 : i32
    %ne3A_6 = arith.xori %lt3A_3, %lt3A_5 : i1
    %and3A = arith.andi %ne3A_6, %ne3A_2 : i1
    %add3A = arith.addi %rem3A, %select_n3A : i32
    %select_n3A_7 = arith.select %and3A, %add3A, %rem3A : i32
    %c0_i32 = arith.constant 0 : i32
    %c0_i32_8 = arith.constant 0 : i32
    return %select_n3A_7, %c0_i32 : i32, i32
  }
  func.func @transform_3(%arg0: i32) -> (i32, i32) {
    %jit3A = arith.constant 16 : i32
    %eq3A = arith.constant 0 : i32
    %eq3A_0 = arith.cmpi eq, %jit3A, %eq3A : i32
    %jit3A_1 = arith.constant 1 : i32
    %select_n3A = arith.select %eq3A_0, %jit3A_1, %jit3A : i32
    %rem3A = arith.remsi %arg0, %select_n3A : i32
    %ne3A = arith.constant 0 : i32
    %ne3A_2 = arith.cmpi ne, %rem3A, %ne3A : i32
    %lt3A = arith.constant 0 : i32
    %lt3A_3 = arith.cmpi slt, %rem3A, %lt3A : i32
    %lt3A_4 = arith.constant 0 : i32
    %lt3A_5 = arith.cmpi slt, %select_n3A, %lt3A_4 : i32
    %ne3A_6 = arith.xori %lt3A_3, %lt3A_5 : i1
    %and3A = arith.andi %ne3A_6, %ne3A_2 : i1
    %add3A = arith.addi %rem3A, %select_n3A : i32
    %select_n3A_7 = arith.select %and3A, %add3A, %rem3A : i32
    %c0_i32 = arith.constant 0 : i32
    %c0_i32_8 = arith.constant 0 : i32
    return %select_n3A_7, %c0_i32 : i32, i32
  }
  func.func @transform_4(%arg0: i32) -> (i32, i32) {
    %jit3A = arith.constant 16 : i32
    %eq3A = arith.constant 0 : i32
    %eq3A_0 = arith.cmpi eq, %jit3A, %eq3A : i32
    %jit3A_1 = arith.constant 1 : i32
    %select_n3A = arith.select %eq3A_0, %jit3A_1, %jit3A : i32
    %rem3A = arith.remsi %arg0, %select_n3A : i32
    %ne3A = arith.constant 0 : i32
    %ne3A_2 = arith.cmpi ne, %rem3A, %ne3A : i32
    %lt3A = arith.constant 0 : i32
    %lt3A_3 = arith.cmpi slt, %rem3A, %lt3A : i32
    %lt3A_4 = arith.constant 0 : i32
    %lt3A_5 = arith.cmpi slt, %select_n3A, %lt3A_4 : i32
    %ne3A_6 = arith.xori %lt3A_3, %lt3A_5 : i1
    %and3A = arith.andi %ne3A_6, %ne3A_2 : i1
    %add3A = arith.addi %rem3A, %select_n3A : i32
    %select_n3A_7 = arith.select %and3A, %add3A, %rem3A : i32
    %c0_i32 = arith.constant 0 : i32
    %c0_i32_8 = arith.constant 0 : i32
    return %select_n3A_7, %c0_i32 : i32, i32
  }
  func.func @transform_5(%arg0: i32) -> (i32, i32) {
    %c0_i32 = arith.constant 0 : i32
    %c0_i32_0 = arith.constant 0 : i32
    %c0_i32_1 = arith.constant 0 : i32
    return %c0_i32, %c0_i32_0 : i32, i32
  }
  func.func @transform_6(%arg0: i32) -> (i32, i32) {
    %c0_i32 = arith.constant 0 : i32
    %c0_i32_0 = arith.constant 0 : i32
    %c0_i32_1 = arith.constant 0 : i32
    return %c0_i32, %c0_i32_0 : i32, i32
  }
  func.func @transform_7(%arg0: i32) -> (i32, i32) {
    %c0_i32 = arith.constant 0 : i32
    %c0_i32_0 = arith.constant 0 : i32
    %c0_i32_1 = arith.constant 0 : i32
    return %c0_i32, %c0_i32_0 : i32, i32
  }
  func.func @transform_8(%arg0: i32) -> (i32, i32) {
    %c0_i32 = arith.constant 0 : i32
    %c0_i32_0 = arith.constant 0 : i32
    %c0_i32_1 = arith.constant 0 : i32
    return %c0_i32, %c0_i32_0 : i32, i32
  }
  func.func @transform_9(%arg0: i32) -> (i32, i32) {
    %c0_i32 = arith.constant 0 : i32
    %c0_i32_0 = arith.constant 0 : i32
    %c0_i32_1 = arith.constant 0 : i32
    return %c0_i32, %c0_i32_0 : i32, i32
  }
  func.func @transform_10(%arg0: i32) -> (i32, i32) {
    %c0_i32 = arith.constant 0 : i32
    %c0_i32_0 = arith.constant 0 : i32
    %c0_i32_1 = arith.constant 0 : i32
    return %c0_i32, %c0_i32_0 : i32, i32
  }
  func.func @transform_11(%arg0: i32) -> (i32, i32) {
    %c0_i32 = arith.constant 0 : i32
    %c0_i32_0 = arith.constant 0 : i32
    %c0_i32_1 = arith.constant 0 : i32
    return %c0_i32, %c0_i32_0 : i32, i32
  }
  func.func @transform_12(%arg0: i32) -> (i32, i32) {
    %c0_i32 = arith.constant 0 : i32
    %c0_i32_0 = arith.constant 0 : i32
    %c0_i32_1 = arith.constant 0 : i32
    return %c0_i32, %c0_i32_0 : i32, i32
  }
  func.func @transform_13(%arg0: i32) -> (i32, i32) {
    %c0_i32 = arith.constant 0 : i32
    %c0_i32_0 = arith.constant 0 : i32
    %c0_i32_1 = arith.constant 0 : i32
    return %c0_i32, %c0_i32_0 : i32, i32
  }
  func.func @transform_14(%arg0: i32) -> (i32, i32) {
    %c0_i32 = arith.constant 0 : i32
    %c0_i32_0 = arith.constant 0 : i32
    %c0_i32_1 = arith.constant 0 : i32
    return %c0_i32, %c0_i32_0 : i32, i32
  }
  func.func @transform_15(%arg0: i32) -> (i32, i32) {
    %c0_i32 = arith.constant 0 : i32
    %c0_i32_0 = arith.constant 0 : i32
    %c0_i32_1 = arith.constant 0 : i32
    return %c0_i32, %c0_i32_0 : i32, i32
  }
  func.func @transform_16(%arg0: i32) -> (i32, i32) {
    %c0_i32 = arith.constant 0 : i32
    %c0_i32_0 = arith.constant 0 : i32
    %c0_i32_1 = arith.constant 0 : i32
    return %c0_i32, %c0_i32_0 : i32, i32
  }
  func.func @transform_17(%arg0: i32) -> (i32, i32) {
    %c0_i32 = arith.constant 0 : i32
    %c0_i32_0 = arith.constant 0 : i32
    %c0_i32_1 = arith.constant 0 : i32
    return %c0_i32, %c0_i32_0 : i32, i32
  }
  func.func @transform_18(%arg0: i32) -> (i32, i32) {
    %jit3A = arith.constant 16 : i32
    %eq3A = arith.constant 0 : i32
    %eq3A_0 = arith.cmpi eq, %jit3A, %eq3A : i32
    %jit3A_1 = arith.constant 1 : i32
    %select_n3A = arith.select %eq3A_0, %jit3A_1, %jit3A : i32
    %rem3A = arith.remsi %arg0, %select_n3A : i32
    %ne3A = arith.constant 0 : i32
    %ne3A_2 = arith.cmpi ne, %rem3A, %ne3A : i32
    %lt3A = arith.constant 0 : i32
    %lt3A_3 = arith.cmpi slt, %rem3A, %lt3A : i32
    %lt3A_4 = arith.constant 0 : i32
    %lt3A_5 = arith.cmpi slt, %select_n3A, %lt3A_4 : i32
    %ne3A_6 = arith.xori %lt3A_3, %lt3A_5 : i1
    %and3A = arith.andi %ne3A_6, %ne3A_2 : i1
    %add3A = arith.addi %rem3A, %select_n3A : i32
    %select_n3A_7 = arith.select %and3A, %add3A, %rem3A : i32
    %c0_i32 = arith.constant 0 : i32
    %c0_i32_8 = arith.constant 0 : i32
    return %select_n3A_7, %c0_i32 : i32, i32
  }
}

</mosaic_0001>

<sc_bundles>
// kernel: kernel.7.cloned.1.call-start
scs
__scs_entry_jumppad:
0x0: {  	(pc) =	sbr.rel $0x88, $3  }
0x1: {  	(tag) =	ssettag $0x0;
	lr =	simm.s32 $0x1  }
0x2: {  	[smem:$0x3F89] =	sst lr;
	_ =	strace $0xD0000000  }
0x3: {  	_ = 	snop  }
0x4: {  	_ = 	snop  }
0x5: {  	_ = 	snop  }
0x6: {  	_ = 	snop  }
0x7: {  	_ = 	snop  }
__scs_overlays_trampoline_lowered:
0x8: {  	[smem:$0x3F98] =	sst s0  }
0x9: {  	[smem:$0x3F99] =	sst s1  }
0xa: {  	[smem:$0x3F9A] =	sst s2  }
0xb: {  	[smem:$0x3F9B] =	sst s3  }
0xc: {  	[smem:$0x3F9C] =	sst s4  }
0xd: {  	[smem:$0x3F9D] =	sst s5  }
0xe: {  	[smem:$0x3F9E] =	sst s6  }
0xf: {  	[smem:$0x3F9F] =	sst s7  }
0x10: {  	[smem:$0x3FA0] =	sst s8  }
0x11: {  	[smem:$0x3FA1] =	sst s9;
	s0 =	simm.s32 @!p0 $0x0  }
0x12: {  	s1 =	sld [smem:$0x3F87];
	s0 =	simm.s32 @p0 $0x1  }
0x13: {  	[smem:$0x3FA2] =	sst s0;
	s0 =	simm.s32 @!p1 $0x0  }
0x14: {  	s2 =	sld [smem:$0x3F86];
	s0 =	simm.s32 @p1 $0x1  }
0x15: {  	[smem:$0x3FA3] =	sst s0;
	s0 =	simm.s32 @!p2 $0x0  }
0x16: {  	s3 =	sld [smem:$0x3FDB];
	s0 =	simm.s32 @p2 $0x1  }
0x17: {  	s4 =	simm.s32 $0x1BF5;
	[smem:$0x3FA5] =	sst s0  }
0x18: {  	s0 =	sld [smem:$0x3F88];
	_ =	swait.ge [sflag:s4], $0x0  }
0x19: {  	s7 =	sld [smem:$0x3F89]  }
0x1a: {  	s8 =	sadd.s32 $0xFFFFE003, lr  }
0x1b: {  	s9 =	sadd.s32 $0xFFFFFEF7, lr;
	s5 =	simm.s32 $0xFFFFFFFF;
	p2 =	slt.u32 s8, $0xFFFFF086  }
0x1c: {  	p1 =	slt.u32 s9, $0xF7A;
	s5 =	simm.s32 @!p2 $0x0  }
0x1d: {  	s5 =	simm.s32 @p1 $0x1;
	p0 =	seq.s32 s7, s2  }
0x1e: {  	s7 =	smul.u32 @!p0 $0xF7A, s2;
	p2 =	seq.s32 @!p0 s5, $0x0  }
0x1f: {  	s9 =	smul.u32 $0xF7A, s1;
	s8 =	simm.s32 @!p0 $0x1BF5;
	p2 =	por !p2, p0  }
0x20: {  	[sflag:s8] =	ssyncset.s32 @!p0 $0xFFFFF086;
	s6 =	sadd.s32 @!p0 s3, s7;
	s7 =	simm.s32 @!p0 $0x108  }
0x21: {  	s3 =	sadd.s32 s3, s9;
	s6 =	sadd.s32 @!p0 $0x88, s6;
	s7 =	simm.s32 @p2 $0x1082  }
0x22: {  	[simem:s7], [sflag:s8] =	dma.local @!p0 [hbm:s6], $0xF7A  }
0x23: {  	s9 =	sor.u32 $0xD0000000, s2;
	s6 =	simm.s32 $0x108;
	_ =	swait.ge @!p0 [sflag:s8], $0x0  }
0x24: {  	s3 =	sadd.s32 $0x88, s3;
	s6 =	simm.s32 @!p1 $0x1082;
	[sflag:s4] =	ssyncset.s32 $0xFFFFF086  }
0x25: {  	[simem:s6], [sflag:s4] =	dma.local [hbm:s3], $0xF7A  }
0x26: {  	[smem:$0x3F89] =	sst s1;
	(tag) =	ssettag s2;
	_ =	strace s9  }
0x27: {  	s1 =	sld [smem:$0x3F99]  }
0x28: {  	s2 =	sld [smem:$0x3F9A]  }
0x29: {  	s4 =	sld [smem:$0x3F9C]  }
0x2a: {  	p0 =	seq.s32 s5, $0x0;
	s5 =	sld [smem:$0x3F9D]  }
0x2b: {  	s6 =	sld [smem:$0x3F9E]  }
0x2c: {  	s7 =	sld [smem:$0x3F9F]  }
0x2d: {  	s3 =	simm.s32 $0x108;
	s8 =	sld [smem:$0x3FA0]  }
0x2e: {  	s3 =	simm.s32 @!p0 $0x1082;
	s9 =	sld [smem:$0x3FA1]  }
0x2f: {  	lr =	sadd.s32 s0, s3;
	s0 =	sld [smem:$0x3F98]  }
0x30: {  	s3 =	sld [smem:$0x3F9B]  }
0x31: {  	[smem:$0x3FA4] =	sst s10  }
0x32: {  	s10 =	sld [smem:$0x3FA2];
	_ =	sdelay $0x3  }
0x33: {  	p0 =	seq.s32 s10, $0x1;
	s10 =	sld [smem:$0x3FA4];
	_ =	sdelay $0x3  }
0x34: {  	[smem:$0x3FA4] =	sst s10  }
0x35: {  	s10 =	sld [smem:$0x3FA3];
	_ =	sdelay $0x3  }
0x36: {  	p1 =	seq.s32 s10, $0x1;
	s10 =	sld [smem:$0x3FA4];
	_ =	sdelay $0x3  }
0x37: {  	[smem:$0x3FA4] =	sst s10  }
0x38: {  	s10 =	sld [smem:$0x3FA5]  }
0x39: {  	_ = 	snop;
	(pc) =	sbr.ind lr, $3  }
0x3a: {  	_ = 	snop  }
0x3b: {  	_ = 	snop  }
0x3c: {  	p2 =	seq.s32 s10, $0x1;
	s10 =	sld [smem:$0x3FA4]  }
0x3d: {  	_ =	shalt  }
0x3e: {  	_ =	shalt  }
0x3f: {  	_ =	shalt  }
0x40: {  	_ =	shalt  }
0x41: {  	_ =	shalt  }
0x42: {  	_ =	shalt  }
0x43: {  	_ =	shalt  }
0x44: {  	_ =	shalt  }
0x45: {  	_ =	shalt  }
0x46: {  	_ =	shalt  }
0x47: {  	_ =	shalt  }
0x48: {  	_ =	shalt  }
0x49: {  	_ =	shalt  }
0x4a: {  	_ =	shalt  }
0x4b: {  	_ =	shalt  }
0x4c: {  	_ =	shalt  }
0x4d: {  	_ =	shalt  }
0x4e: {  	_ =	shalt  }
0x4f: {  	_ =	shalt  }
0x50: {  	_ =	shalt  }
0x51: {  	_ =	shalt  }
0x52: {  	_ =	shalt  }
0x53: {  	_ =	shalt  }
0x54: {  	_ =	shalt  }
0x55: {  	_ =	shalt  }
0x56: {  	_ =	shalt  }
0x57: {  	_ =	shalt  }
0x58: {  	_ =	shalt  }
0x59: {  	_ =	shalt  }
0x5a: {  	_ =	shalt  }
0x5b: {  	_ =	shalt  }
0x5c: {  	_ =	shalt  }
0x5d: {  	_ =	shalt  }
0x5e: {  	_ =	shalt  }
0x5f: {  	_ =	shalt  }
0x60: {  	_ =	shalt  }
0x61: {  	_ =	shalt  }
0x62: {  	_ =	shalt  }
0x63: {  	_ =	shalt  }
0x64: {  	_ =	shalt  }
0x65: {  	_ =	shalt  }
0x66: {  	_ =	shalt  }
0x67: {  	_ =	shalt  }
0x68: {  	_ =	shalt  }
0x69: {  	_ =	shalt  }
0x6a: {  	_ =	shalt  }
0x6b: {  	_ =	shalt  }
0x6c: {  	_ =	shalt  }
0x6d: {  	_ =	shalt  }
0x6e: {  	_ =	shalt  }
0x6f: {  	_ =	shalt  }
0x70: {  	_ =	shalt  }
0x71: {  	_ =	shalt  }
0x72: {  	_ =	shalt  }
0x73: {  	_ =	shalt  }
0x74: {  	_ =	shalt  }
0x75: {  	_ =	shalt  }
0x76: {  	_ =	shalt  }
0x77: {  	_ =	shalt  }
0x78: {  	_ =	shalt  }
0x79: {  	_ =	shalt  }
0x7a: {  	_ =	shalt  }
0x7b: {  	_ =	shalt  }
0x7c: {  	_ =	shalt  }
0x7d: {  	_ =	shalt  }
0x7e: {  	_ =	shalt  }
0x7f: {  	_ =	shalt  }
0x80: {  	_ =	shalt  }
0x81: {  	_ =	shalt  }
0x82: {  	_ =	shalt  }
0x83: {  	_ =	shalt  }
0x84: {  	_ =	shalt  }
0x85: {  	_ =	shalt  }
0x86: {  	_ =	shalt  }
0x87: {  	_ =	shalt  }
.Lfunc_end0:
.L_simem_size_0:
called_computation_lowered:
.L_overlay_start_0:
0x88: {  	s2 =	sld [smem:$0x3FD9]  }
0x89: {  	s3 =	sld [smem:$0x3FFE];
	_ =	sdelay $0x1  }
0x8a: {  	s1 =	srdreg.scid  }
0x8b: {  	s0 =	sand.u32 $0x1, s1  }
0x8c: {  	s17 =	sshll.u32 s0, $0xA;
	s2 =	sadd.s32 s3, s2  }
0x8d: {  	s2 =	sadd.s32 s2, s17  }
0x8e: {  	[smem:$0x3FB0] =	sst s2  }
0x8f: {  	_ = 	snop  }
0x90: {  	s2 =	sld [smem:$0x3FC5]  }
0x91: {  	s18 =	sld [smem:$0x3FC4]  }
0x92: {  	s4 =	sld [smem:$0x3FD0];
	(tm) =	ssettm $0x1  }
0x93: {  	s5 =	sld [smem:$0x3FFB];
	_ =	sdelay $0x3  }
0x94: {  	_ =	strace s5  }
0x95: {  	s5 =	sld [smem:$0x3FFC];
	_ =	sdelay $0x3  }
0x96: {  	_ =	strace s5  }
0x97: {  	s5 =	sld [smem:$0x3FFD];
	_ =	sdelay $0x3  }
0x98: {  	_ =	strace s5  }
0x99: {  	_ =	strace $0x8FFFFFFF  }
0x9a: {  	s19 =	sld [smem:$0x3FDB];
	_ =	sdelay $0x1  }
0x9b: {  	s6 =	simm.s32 $_scs_section_size  }
0x9c: {  	s7 =	simm.s32 $_size__tile_overlayer_lowered;
	s8 =	simm.s32 $_tile_overlayer_lowered  }
0x9d: {  	s22 =	simm.s32 $0x1BFF;
	s21 =	sshll.u32 s8, $0x1;
	s5 =	sadd.s32 s6, s19  }
0x9e: {  	s9 =	simm.s32 $0x0;
	s20 =	sshll.u32 s7, $0x1;
	s7 =	sadd.s32 s21, s5  }
0x9f: {  	[timem:s9], [sflag:s22] =	dma.local [hbm:s7], s20  }
0xa0: {  	_ =	swait.ge [sflag:s22], s20  }
0xa1: {  	s6 =	ssub.s32 $0x0, s20;
	[sflag:s22] =	ssyncset.done $0x0  }
0xa2: {  	[sflag:s22] =	ssyncadd.s32 s6;
	_ =	sdelay $0x1  }
0xa3: {  	s23 =	simm.s32 $0x1B8B  }
0xa4: {  	_ =	swait.ge [sflag:s23], $0x1  }
0xa5: {  	[sflag:s23] =	ssyncset.done $0x0  }
0xa6: {  	s25 =	simm.s32 $0x1B8E;
	s24 =	sld [smem:$0x3FFE];
	[sflag:s23] =	ssyncadd.s32 $0xFFFFFFFF  }
0xa7: {  	s26 =	simm.s32 $execute0_lowered;
	[smem:$0x3FD2] =	sst s25  }
0xa8: {  	s7 =	sshll.u32 s26, $0x1;
	_ =	strace $0x80000046;
	[dreg:$0x1] =	wrdreg $0xFFFFFFFF  }
0xa9: {  	s28 =	simm.s32 $_size_execute0_lowered;
	s5 =	sadd.s32 s5, s7;
	[dreg:$0x0] =	wrdreg $0x0  }
0xaa: {  	s7 =	sshll.u32 s28, $0x1;
	[dreg:$0x2] =	wrdreg s5  }
0xab: {  	[dreg:$0x3] =	wrdreg s7  }
0xac: {  	[dreg:$0x4] =	wrdreg $0xC0  }
0xad: {  	_ =	task [dreg:s9], $0x5FFFF  }
0xae: {  	[dreg:$0x1] =	wrdreg $0xFFFFFFFF  }
0xaf: {  	[dreg:$0x0] =	wrdreg $0x60  }
0xb0: {  	[dreg:$0x2] =	wrdreg s24  }
0xb1: {  	[dreg:$0x3] =	wrdreg s4  }
0xb2: {  	[dreg:$0x4] =	wrdreg s2  }
0xb3: {  	[dreg:$0x5] =	wrdreg s18  }
0xb4: {  	[dreg:$0x6] =	wrdreg $0x9  }
0xb5: {  	_ =	task.clear_ibuf [dreg:s9], $0x7FFFF;
	_ =	strace $0x90000046  }
0xb6: {  	s29 =	simm.s32 $0x9;
	_ =	strace $0x80000048  }
0xb7: {  	_ =	swait.ge [sflag:s29], $0x1  }
0xb8: {  	[sflag:s29] =	ssyncadd.s32 $0xFFFFFFFF  }
0xb9: {  	_ =	strace $0x90000048  }
0xba: {  	_ =	sfence  }
0xbb: {  	s30 =	sld [smem:$0x0];
	_ =	sdelay $0x2  }
0xbc: {  	s31 =	sshll.u32 s1, $0xD;
	s1 =	sshrl.u32 s1, $0x2  }
0xbd: {  	s3 =	sand.u32 $0x4000, s31;
	s1 =	sadd.s32 s1, s30  }
0xbe: {  	s0 =	sor.u32 s3, s0;
	s1 =	sshll.u32 s1, $0x11  }
0xbf: {  	s0 =	sor.u32 s1, s0  }
0xc0: {  	s0 =	sadd.s32 $0x8F2B, s0  }
0xc1: {  	[sflag:s0] =	ssyncadd.remote.s32 $0x1  }
0xc2: {  	_ =	sfence.sel $0xFFFF  }
0xc3: {  	[dreg:$0x0] =	wrdreg $0xFFFFFFFF;
	(pc) =	sbr.abs _section_cstart, $3  }
0xc4: {  	[dreg:$0x1] =	wrdreg $0xFFFFFFFF  }
0xc5: {  	_ =	task.clear_ibuf [dreg:s9], $0x2FFFF;
	_ =	strace $0x9FFFFFFF  }
0xc6: {  	(tm) =	ssettm $0x7FFFFFFF  }
0xc7: {  	_ =	shalt  }
tec
execute0_lowered:
.L_overlay_start_1:
0x0: {  	(tag) =	ssettag $0x1  }
0x1: {  	s28 =	rddreg [dreg:$0x0]  }
0x2: {  	s20 =	rddreg [dreg:$0x1]  }
0x3: {  	s25 =	rddreg [dreg:$0x2]  }
0x4: {  	s30 =	rddreg [dreg:$0x3]  }
0x5: {  	s0 =	srdreg.scid;
	s1 =	stileid.u32  }
0x6: {  	s2 =	simm.s32 $0x0;
	s0 =	sand.u32 $0x1, s0;
	s3 =	sshll.u32 s1, $0x1  }
0x7: {  	[smem:$0x7FF] =	sst s2;
	s18 =	sadd.s32 $0x3F3200, s28;
	s24 =	sor.u32 s0, s3  }
0x8: {  	s19 =	sadd.s32 $0x473200, s28;
	s5 =	sadd.s32 $0xA600, s28;
	s4 =	smul.u32 $0x1900, s24  }
0x9: {  	_ =	strace $0x80000047;
	[dreg:$0x5] =	wrdreg s18;
	s13 =	smul.u32 $0x6400, s24  }
0xa: {  	s10 =	sadd.s32 $0x477200, s28;
	[dreg:$0x6] =	wrdreg s19;
	s1 =	sshrl.u32 s4, $0x3  }
0xb: {  	s22 =	sadd.s32 s10, s13;
	s6 =	sadd.s32 $0x640, s4;
	s26 =	sadd.s32 $0xC80, s4  }
0xc: {  	s21 =	sadd.s32 s5, s1;
	[dreg:$0x8] =	wrdreg s22;
	s14 =	sshrl.u32 s6, $0x3  }
0xd: {  	s15 =	sshll.u32 s6, $0x2;
	[dreg:$0x7] =	wrdreg s21;
	s23 =	sadd.s32 s5, s14  }
0xe: {  	s16 =	sshrl.u32 s26, $0x3;
	s7 =	sadd.s32 s10, s15;
	[dreg:$0x9] =	wrdreg s23  }
0xf: {  	s8 =	sadd.s32 s5, s16;
	[dreg:$0xa] =	wrdreg s7  }
0x10: {  	s12 =	sadd.s32 $0x12C0, s4;
	s17 =	sshll.u32 s26, $0x2;
	[dreg:$0xb] =	wrdreg s8  }
0x11: {  	s18 =	sshrl.u32 s12, $0x3;
	s9 =	sadd.s32 s10, s17;
	s11 =	rddreg [dreg:$0x7]  }
0x12: {  	s19 =	sadd.s32 s5, s18;
	[dreg:$0xc] =	wrdreg s9  }
0x13: {  	s3 =	simm.s32 $0x3;
	[dreg:$0xd] =	wrdreg s19  }
0x14: {  	[tilespmem:s2], [sflag:$0x3] =	stream.linear.gather [hbm4b:s11+s2], $0x640, $0x38;
	[tilespmem:$0x1A0A0] =	vst v63  }
0x15: {  	_ =	swait.ge [sflag:s3], $0x640  }
0x16: {  	s4 =	sadd.s32 $0x13200, s28;
	s6 =	simm.s32 $0xC80;
	[sflag:s3] =	ssyncset.done $0x0  }
0x17: {  	s5 =	simm.s32 $0x640;
	s7 =	simm.s32 $0x1;
	[sflag:s3] =	ssyncadd.s32 $0xFFFFF9C0  }
0x18: {  	[tilespmem:s6], [sflag:$0x1] =	stream.indirect.gather [hbm4b:s4+s5], $0x20, s2, s5, $0xb8;
	[tilespmem:$0x1A0A0] =	vst v63  }
0x19: {  	_ =	swait.ge [sflag:s7], $0xC800  }
0x1a: {  	[sflag:s7] =	ssyncset.done $0x0  }
0x1b: {  	s8 =	rddreg [dreg:$0x8];
	[sflag:s7] =	ssyncadd.s32 $0xFFFF3800  }
0x1c: {  	[hbm4b:s8+s2] =	stream.linear.scatter [tilespmem:s6], [sflag:$0x2], $0xC800, $0x38;
	[tilespmem:$0x1A0A0] =	vst v63  }
0x1d: {  	s9 =	rddreg [dreg:$0x9]  }
0x1e: {  	[tilespmem:s5], [sflag:$0x3] =	stream.linear.gather [hbm4b:s9+s2], $0x640, $0x38;
	[tilespmem:$0x1A0A0] =	vst v63  }
0x1f: {  	_ =	swait.ge [sflag:s3], $0x640  }
0x20: {  	[sflag:s3] =	ssyncset.done $0x0  }
0x21: {  	s8 =	simm.s32 $0xD480;
	s9 =	simm.s32 $0x2;
	[sflag:s3] =	ssyncadd.s32 $0xFFFFF9C0  }
0x22: {  	[tilespmem:s8], [sflag:$0x1] =	stream.indirect.gather [hbm4b:s4+s5], $0x20, s5, s5, $0xb8;
	[tilespmem:$0x1A0A0] =	vst v63  }
0x23: {  	_ =	swait.ge [sflag:s9], $0xC800  }
0x24: {  	[sflag:s9] =	ssyncset.done $0x0  }
0x25: {  	[sflag:s9] =	ssyncadd.s32 $0xFFFF3800  }
0x26: {  	_ =	swait.ge [sflag:s7], $0xC800  }
0x27: {  	[sflag:s7] =	ssyncset.done $0x0  }
0x28: {  	s19 =	rddreg [dreg:$0xa];
	[sflag:s7] =	ssyncadd.s32 $0xFFFF3800  }
0x29: {  	[hbm4b:s19+s2] =	stream.linear.scatter [tilespmem:s8], [sflag:$0x2], $0xC800, $0x38;
	[tilespmem:$0x1A0A0] =	vst v63  }
0x2a: {  	s21 =	rddreg [dreg:$0xb]  }
0x2b: {  	[tilespmem:s2], [sflag:$0x3] =	stream.linear.gather [hbm4b:s21+s2], $0x640, $0x38;
	[tilespmem:$0x1A0A0] =	vst v63  }
0x2c: {  	_ =	swait.ge [sflag:s3], $0x640  }
0x2d: {  	[sflag:s3] =	ssyncset.done $0x0  }
0x2e: {  	[sflag:s3] =	ssyncadd.s32 $0xFFFFF9C0  }
0x2f: {  	[tilespmem:s6], [sflag:$0x1] =	stream.indirect.gather [hbm4b:s4+s5], $0x20, s2, s5, $0xb8;
	[tilespmem:$0x1A0A0] =	vst v63  }
0x30: {  	_ =	swait.ge [sflag:s9], $0xC800  }
0x31: {  	[sflag:s9] =	ssyncset.done $0x0  }
0x32: {  	[sflag:s9] =	ssyncadd.s32 $0xFFFF3800  }
0x33: {  	_ =	swait.ge [sflag:s7], $0xC800  }
0x34: {  	[sflag:s7] =	ssyncset.done $0x0  }
0x35: {  	s21 =	rddreg [dreg:$0xc];
	[sflag:s7] =	ssyncadd.s32 $0xFFFF3800  }
0x36: {  	[hbm4b:s21+s2] =	stream.linear.scatter [tilespmem:s6], [sflag:$0x2], $0xC800, $0x38;
	[tilespmem:$0x1A0A0] =	vst v63  }
0x37: {  	s22 =	rddreg [dreg:$0xd]  }
0x38: {  	[tilespmem:s5], [sflag:$0x3] =	stream.linear.gather [hbm4b:s22+s2], $0x640, $0x38;
	[tilespmem:$0x1A0A0] =	vst v63  }
0x39: {  	_ =	swait.ge [sflag:s3], $0x640  }
0x3a: {  	[sflag:s3] =	ssyncset.done $0x0  }
0x3b: {  	[sflag:s3] =	ssyncadd.s32 $0xFFFFF9C0  }
0x3c: {  	[tilespmem:s8], [sflag:$0x1] =	stream.indirect.gather [hbm4b:s4+s5], $0x20, s5, s5, $0xb8;
	[tilespmem:$0x1A0A0] =	vst v63  }
0x3d: {  	_ =	swait.ge [sflag:s9], $0xC800  }
0x3e: {  	[sflag:s9] =	ssyncset.done $0x0  }
0x3f: {  	[sflag:s9] =	ssyncadd.s32 $0xFFFF3800  }
0x40: {  	_ =	swait.ge [sflag:s7], $0xC800  }
0x41: {  	s23 =	sshll.u32 s12, $0x2;
	[sflag:s7] =	ssyncset.done $0x0  }
0x42: {  	s26 =	sadd.s32 $0x4000, s28;
	s10 =	sadd.s32 s10, s23;
	[sflag:s7] =	ssyncadd.s32 $0xFFFF3800  }
0x43: {  	[hbm4b:s10+s2] =	stream.linear.scatter [tilespmem:s8], [sflag:$0x2], $0xC800, $0x38;
	[tilespmem:$0x1A0A0] =	vst v63  }
0x44: {  	s1 =	sadd.s32 s26, s1;
	[dreg:$0xe] =	wrdreg s10  }
0x45: {  	[tilespmem:s2], [sflag:$0x3] =	stream.linear.gather [hbm4b:s1+s2], $0x640, $0x38;
	[tilespmem:$0x1A0A0] =	vst v63  }
0x46: {  	_ =	swait.ge [sflag:s3], $0x640  }
0x47: {  	[sflag:s3] =	ssyncset.done $0x0  }
0x48: {  	s12 =	sadd.s32 $0x12200, s28;
	[sflag:s3] =	ssyncadd.s32 $0xFFFFF9C0  }
0x49: {  	[tilespmem:s6], [sflag:$0x1] =	stream.indirect.gather [hbm4b:s12+s5], $0x20, s2, s5, $0xb8;
	[tilespmem:$0x1A0A0] =	vst v63  }
0x4a: {  	_ =	swait.ge [sflag:s9], $0xC800  }
0x4b: {  	[sflag:s9] =	ssyncset.done $0x0  }
0x4c: {  	[sflag:s9] =	ssyncadd.s32 $0xFFFF3800  }
0x4d: {  	_ =	swait.ge [sflag:s7], $0xC800  }
0x4e: {  	s22 =	sadd.s32 $0x53F200, s28;
	[sflag:s7] =	ssyncset.done $0x0  }
0x4f: {  	s13 =	sadd.s32 s22, s13;
	[sflag:s7] =	ssyncadd.s32 $0xFFFF3800  }
0x50: {  	[hbm4b:s13+s2] =	stream.linear.scatter [tilespmem:s6], [sflag:$0x2], $0xC800, $0x38;
	[tilespmem:$0x1A0A0] =	vst v63  }
0x51: {  	s14 =	sadd.s32 s26, s14  }
0x52: {  	[tilespmem:s5], [sflag:$0x3] =	stream.linear.gather [hbm4b:s14+s2], $0x640, $0x38;
	[tilespmem:$0x1A0A0] =	vst v63  }
0x53: {  	_ =	swait.ge [sflag:s3], $0x640  }
0x54: {  	[sflag:s3] =	ssyncset.done $0x0  }
0x55: {  	[sflag:s3] =	ssyncadd.s32 $0xFFFFF9C0  }
0x56: {  	[tilespmem:s8], [sflag:$0x1] =	stream.indirect.gather [hbm4b:s12+s5], $0x20, s5, s5, $0xb8;
	[tilespmem:$0x1A0A0] =	vst v63  }
0x57: {  	_ =	swait.ge [sflag:s9], $0xC800  }
0x58: {  	[sflag:s9] =	ssyncset.done $0x0  }
0x59: {  	[sflag:s9] =	ssyncadd.s32 $0xFFFF3800  }
0x5a: {  	_ =	swait.ge [sflag:s7], $0xC800  }
0x5b: {  	[sflag:s7] =	ssyncset.done $0x0  }
0x5c: {  	s15 =	sadd.s32 s22, s15;
	[sflag:s7] =	ssyncadd.s32 $0xFFFF3800  }
0x5d: {  	[hbm4b:s15+s2] =	stream.linear.scatter [tilespmem:s8], [sflag:$0x2], $0xC800, $0x38;
	[tilespmem:$0x1A0A0] =	vst v63  }
0x5e: {  	s16 =	sadd.s32 s26, s16  }
0x5f: {  	[tilespmem:s2], [sflag:$0x3] =	stream.linear.gather [hbm4b:s16+s2], $0x640, $0x38;
	[tilespmem:$0x1A0A0] =	vst v63  }
0x60: {  	_ =	swait.ge [sflag:s3], $0x640  }
0x61: {  	[sflag:s3] =	ssyncset.done $0x0  }
0x62: {  	[sflag:s3] =	ssyncadd.s32 $0xFFFFF9C0  }
0x63: {  	[tilespmem:s6], [sflag:$0x1] =	stream.indirect.gather [hbm4b:s12+s5], $0x20, s2, s5, $0xb8;
	[tilespmem:$0x1A0A0] =	vst v63  }
0x64: {  	_ =	swait.ge [sflag:s9], $0xC800  }
0x65: {  	[sflag:s9] =	ssyncset.done $0x0  }
0x66: {  	[sflag:s9] =	ssyncadd.s32 $0xFFFF3800  }
0x67: {  	_ =	swait.ge [sflag:s7], $0xC800  }
0x68: {  	[sflag:s7] =	ssyncset.done $0x0  }
0x69: {  	s17 =	sadd.s32 s22, s17;
	[sflag:s7] =	ssyncadd.s32 $0xFFFF3800  }
0x6a: {  	[hbm4b:s17+s2] =	stream.linear.scatter [tilespmem:s6], [sflag:$0x2], $0xC800, $0x38;
	[tilespmem:$0x1A0A0] =	vst v63  }
0x6b: {  	s18 =	sadd.s32 s26, s18  }
0x6c: {  	[tilespmem:s5], [sflag:$0x3] =	stream.linear.gather [hbm4b:s18+s2], $0x640, $0x38;
	[tilespmem:$0x1A0A0] =	vst v63  }
0x6d: {  	_ =	swait.ge [sflag:s3], $0x640  }
0x6e: {  	[sflag:s3] =	ssyncset.done $0x0  }
0x6f: {  	[sflag:s3] =	ssyncadd.s32 $0xFFFFF9C0  }
0x70: {  	[tilespmem:s8], [sflag:$0x1] =	stream.indirect.gather [hbm4b:s12+s5], $0x20, s5, s5, $0xb8;
	[tilespmem:$0x1A0A0] =	vst v63  }
0x71: {  	_ =	swait.ge [sflag:s9], $0xC800  }
0x72: {  	[sflag:s9] =	ssyncset.done $0x0  }
0x73: {  	[sflag:s9] =	ssyncadd.s32 $0xFFFF3800  }
0x74: {  	_ =	swait.ge [sflag:s7], $0xC800  }
0x75: {  	[sflag:s7] =	ssyncset.done $0x0  }
0x76: {  	s19 =	sadd.s32 s22, s23;
	[sflag:s7] =	ssyncadd.s32 $0xFFFF3800  }
0x77: {  	[hbm4b:s19+s2] =	stream.linear.scatter [tilespmem:s8], [sflag:$0x2], $0xC800, $0x38;
	[tilespmem:$0x1A0A0] =	vst v63  }
0x78: {  	_ =	swait.ge [sflag:s9], $0xC800  }
0x79: {  	s31 =	sshll.u32 s24, $0x2;
	[sflag:s9] =	ssyncset.done $0x0  }
0x7a: {  	s20 =	sadd.s32 s20, s31;
	s21 =	simm.s32 $0x19C80;
	[sflag:s9] =	ssyncadd.s32 $0xFFFF3800  }
0x7b: {  	[tilespmem:s21], [sflag:$0x3] =	stream.linear.gather [hbm4b:s20+s2], $0x20, $0x38;
	[tilespmem:$0x1A0A0] =	vst v63  }
0x7c: {  	_ =	swait.ge [sflag:s3], $0x20  }
0x7d: {  	[sflag:s3] =	ssyncset.done $0x0  }
0x7e: {  	s22 =	simm.s32 $0x20;
	s23 =	simm.s32 $0x19CA0;
	[sflag:s3] =	ssyncadd.s32 $0xFFFFFFE0  }
0x7f: {  	[tilespmem:s23], [sflag:$0x1] =	stream.indirect.gather [hbm4b:s4+s22], $0x20, s21, s22, $0xb8;
	[tilespmem:$0x1A0A0] =	vst v63  }
0x80: {  	s24 =	sshll.u32 s24, $0x7;
	_ =	swait.ge [sflag:s7], $0x400  }
0x81: {  	s10 =	sadd.s32 s24, s28;
	[sflag:s7] =	ssyncset.done $0x0  }
0x82: {  	s24 =	sadd.s32 $0x474200, s10;
	[sflag:s7] =	ssyncadd.s32 $0xFFFFFC00  }
0x83: {  	[hbm4b:s24+s2] =	stream.linear.scatter [tilespmem:s23], [sflag:$0x3], $0x400, $0x38;
	[tilespmem:$0x1A0A0] =	vst v63  }
0x84: {  	_ =	swait.ge [sflag:s3], $0x400  }
0x85: {  	[sflag:s3] =	ssyncset.done $0x0  }
0x86: {  	s25 =	sadd.s32 s25, s31;
	[sflag:s3] =	ssyncadd.s32 $0xFFFFFC00  }
0x87: {  	[tilespmem:s21], [sflag:$0x3] =	stream.linear.gather [hbm4b:s25+s2], $0x20, $0x38;
	[tilespmem:$0x1A0A0] =	vst v63  }
0x88: {  	_ =	swait.ge [sflag:s3], $0x20  }
0x89: {  	[sflag:s3] =	ssyncset.done $0x0  }
0x8a: {  	[sflag:s3] =	ssyncadd.s32 $0xFFFFFFE0  }
0x8b: {  	[tilespmem:s23], [sflag:$0x1] =	stream.indirect.gather [hbm4b:s12+s22], $0x20, s21, s22, $0xb8;
	[tilespmem:$0x1A0A0] =	vst v63  }
0x8c: {  	_ =	swait.ge [sflag:s7], $0x400  }
0x8d: {  	[sflag:s7] =	ssyncset.done $0x0  }
0x8e: {  	s26 =	sadd.s32 $0x475200, s10;
	[sflag:s7] =	ssyncadd.s32 $0xFFFFFC00  }
0x8f: {  	[hbm4b:s26+s2] =	stream.linear.scatter [tilespmem:s23], [sflag:$0x3], $0x400, $0x38;
	[tilespmem:$0x1A0A0] =	vst v63  }
0x90: {  	_ =	swait.ge [sflag:s3], $0x400  }
0x91: {  	s28 =	sadd.s32 s31, s28;
	[sflag:s3] =	ssyncset.done $0x0  }
0x92: {  	s28 =	sadd.s32 $0xA400, s28;
	[sflag:s3] =	ssyncadd.s32 $0xFFFFFC00  }
0x93: {  	[tilespmem:s21], [sflag:$0x3] =	stream.linear.gather [hbm4b:s28+s2], $0x20, $0x38;
	[tilespmem:$0x1A0A0] =	vst v63  }
0x94: {  	_ =	swait.ge [sflag:s3], $0x20  }
0x95: {  	[sflag:s3] =	ssyncset.done $0x0  }
0x96: {  	s29 =	rddreg [dreg:$0x5];
	[sflag:s3] =	ssyncadd.s32 $0xFFFFFFE0  }
0x97: {  	[tilespmem:s23], [sflag:$0x1] =	stream.indirect.gather [hbm4b:s29+s22], $0x20, s21, s22, $0xb8;
	[tilespmem:$0x1A0A0] =	vst v63  }
0x98: {  	_ =	swait.ge [sflag:s7], $0x400  }
0x99: {  	[sflag:s7] =	ssyncset.done $0x0  }
0x9a: {  	s29 =	sadd.s32 $0x10A00, s10;
	[sflag:s7] =	ssyncadd.s32 $0xFFFFFC00  }
0x9b: {  	[hbm4b:s29+s2] =	stream.linear.scatter [tilespmem:s23], [sflag:$0x3], $0x400, $0x38;
	[tilespmem:$0x1A0A0] =	vst v63  }
0x9c: {  	_ =	swait.ge [sflag:s3], $0x400  }
0x9d: {  	[sflag:s3] =	ssyncset.done $0x0  }
0x9e: {  	s30 =	sadd.s32 s30, s31;
	[sflag:s3] =	ssyncadd.s32 $0xFFFFFC00  }
0x9f: {  	[tilespmem:s21], [sflag:$0x3] =	stream.linear.gather [hbm4b:s30+s2], $0x20, $0x38;
	[tilespmem:$0x1A0A0] =	vst v63  }
0xa0: {  	_ =	swait.ge [sflag:s3], $0x20  }
0xa1: {  	[sflag:s3] =	ssyncset.done $0x0  }
0xa2: {  	s0 =	ssub.s32 $0x2, s0;
	s31 =	rddreg [dreg:$0x6];
	[sflag:s3] =	ssyncadd.s32 $0xFFFFFFE0  }
0xa3: {  	[tilespmem:s23], [sflag:$0x1] =	stream.indirect.gather [hbm4b:s31+s22], $0x20, s21, s22, $0xb8;
	[tilespmem:$0x1A0A0] =	vst v63  }
0xa4: {  	s31 =	sshrl.u32 s0, $0x1  }
0xa5: {  	s0 =	ssub.s32 s0, s31  }
0xa6: {  	s0 =	smax.u32 s0, $0x1  }
0xa7: {  	p0 =	sne.s32 s0, $0x1  }
.Ltmp0:
0xa8: {  	_ =	swait.ge [sflag:s7], $0x400;
	(pc) =	sbr.rel @!p0 .LBB2_2-.Ltmp0, $4  }
0xa9: {  	[sflag:s7] =	ssyncset.done $0x0  }
0xaa: {  	s31 =	sadd.s32 $0x476200, s10;
	[sflag:s7] =	ssyncadd.s32 $0xFFFFFC00  }
0xab: {  	[hbm4b:s31+s2] =	stream.linear.scatter [tilespmem:s23], [sflag:$0x3], $0x400, $0x38;
	[tilespmem:$0x1A0A0] =	vst v63  }
0xac: {  	s11 =	smov.u32 s1;
	s0 =	sadd.s32 $0xFFFFFFFF, s0;
	_ =	swait.ge [sflag:s3], $0x400  }
.LBB2_1:
0xad: {  	[sflag:s3] =	ssyncset.done $0x0  }
0xae: {  	s1 =	rddreg [dreg:$0x7];
	[sflag:s3] =	ssyncadd.s32 $0xFFFFFC00  }
0xaf: {  	[tilespmem:s2], [sflag:$0x3] =	stream.linear.gather [hbm4b:s1+s2], $0x640, $0x38;
	[tilespmem:$0x1A0A0] =	vst v63  }
0xb0: {  	_ =	swait.ge [sflag:s3], $0x640  }
0xb1: {  	[sflag:s3] =	ssyncset.done $0x0  }
0xb2: {  	[sflag:s3] =	ssyncadd.s32 $0xFFFFF9C0  }
0xb3: {  	[tilespmem:s6], [sflag:$0x1] =	stream.indirect.gather [hbm4b:s4+s5], $0x20, s2, s5, $0xb8;
	[tilespmem:$0x1A0A0] =	vst v63  }
0xb4: {  	_ =	swait.ge [sflag:s7], $0xC800  }
0xb5: {  	[sflag:s7] =	ssyncset.done $0x0  }
0xb6: {  	s1 =	rddreg [dreg:$0x8];
	[sflag:s7] =	ssyncadd.s32 $0xFFFF3800  }
0xb7: {  	[hbm4b:s1+s2] =	stream.linear.scatter [tilespmem:s6], [sflag:$0x2], $0xC800, $0x38;
	[tilespmem:$0x1A0A0] =	vst v63  }
0xb8: {  	s10 =	rddreg [dreg:$0x9]  }
0xb9: {  	[tilespmem:s5], [sflag:$0x3] =	stream.linear.gather [hbm4b:s10+s2], $0x640, $0x38;
	[tilespmem:$0x1A0A0] =	vst v63  }
0xba: {  	_ =	swait.ge [sflag:s3], $0x640  }
0xbb: {  	[sflag:s3] =	ssyncset.done $0x0  }
0xbc: {  	[sflag:s3] =	ssyncadd.s32 $0xFFFFF9C0  }
0xbd: {  	[tilespmem:s8], [sflag:$0x1] =	stream.indirect.gather [hbm4b:s4+s5], $0x20, s5, s5, $0xb8;
	[tilespmem:$0x1A0A0] =	vst v63  }
0xbe: {  	_ =	swait.ge [sflag:s9], $0xC800  }
0xbf: {  	[sflag:s9] =	ssyncset.done $0x0  }
0xc0: {  	[sflag:s9] =	ssyncadd.s32 $0xFFFF3800  }
0xc1: {  	_ =	swait.ge [sflag:s7], $0xC800  }
0xc2: {  	[sflag:s7] =	ssyncset.done $0x0  }
0xc3: {  	s1 =	rddreg [dreg:$0xa];
	[sflag:s7] =	ssyncadd.s32 $0xFFFF3800  }
0xc4: {  	[hbm4b:s1+s2] =	stream.linear.scatter [tilespmem:s8], [sflag:$0x2], $0xC800, $0x38;
	[tilespmem:$0x1A0A0] =	vst v63  }
0xc5: {  	s10 =	rddreg [dreg:$0xb]  }
0xc6: {  	[tilespmem:s2], [sflag:$0x3] =	stream.linear.gather [hbm4b:s10+s2], $0x640, $0x38;
	[tilespmem:$0x1A0A0] =	vst v63  }
0xc7: {  	_ =	swait.ge [sflag:s3], $0x640  }
0xc8: {  	[sflag:s3] =	ssyncset.done $0x0  }
0xc9: {  	[sflag:s3] =	ssyncadd.s32 $0xFFFFF9C0  }
0xca: {  	[tilespmem:s6], [sflag:$0x1] =	stream.indirect.gather [hbm4b:s4+s5], $0x20, s2, s5, $0xb8;
	[tilespmem:$0x1A0A0] =	vst v63  }
0xcb: {  	_ =	swait.ge [sflag:s9], $0xC800  }
0xcc: {  	[sflag:s9] =	ssyncset.done $0x0  }
0xcd: {  	[sflag:s9] =	ssyncadd.s32 $0xFFFF3800  }
0xce: {  	_ =	swait.ge [sflag:s7], $0xC800  }
0xcf: {  	[sflag:s7] =	ssyncset.done $0x0  }
0xd0: {  	s1 =	rddreg [dreg:$0xc];
	[sflag:s7] =	ssyncadd.s32 $0xFFFF3800  }
0xd1: {  	[hbm4b:s1+s2] =	stream.linear.scatter [tilespmem:s6], [sflag:$0x2], $0xC800, $0x38;
	[tilespmem:$0x1A0A0] =	vst v63  }
0xd2: {  	s10 =	rddreg [dreg:$0xd]  }
0xd3: {  	[tilespmem:s5], [sflag:$0x3] =	stream.linear.gather [hbm4b:s10+s2], $0x640, $0x38;
	[tilespmem:$0x1A0A0] =	vst v63  }
0xd4: {  	_ =	swait.ge [sflag:s3], $0x640  }
0xd5: {  	[sflag:s3] =	ssyncset.done $0x0  }
0xd6: {  	[sflag:s3] =	ssyncadd.s32 $0xFFFFF9C0  }
0xd7: {  	[tilespmem:s8], [sflag:$0x1] =	stream.indirect.gather [hbm4b:s4+s5], $0x20, s5, s5, $0xb8;
	[tilespmem:$0x1A0A0] =	vst v63  }
0xd8: {  	_ =	swait.ge [sflag:s9], $0xC800  }
0xd9: {  	[sflag:s9] =	ssyncset.done $0x0  }
0xda: {  	[sflag:s9] =	ssyncadd.s32 $0xFFFF3800  }
0xdb: {  	_ =	swait.ge [sflag:s7], $0xC800  }
0xdc: {  	[sflag:s7] =	ssyncset.done $0x0  }
0xdd: {  	s10 =	rddreg [dreg:$0xe];
	[sflag:s7] =	ssyncadd.s32 $0xFFFF3800  }
0xde: {  	[hbm4b:s10+s2] =	stream.linear.scatter [tilespmem:s8], [sflag:$0x2], $0xC800, $0x38;
	[tilespmem:$0x1A0A0] =	vst v63  }
0xdf: {  	_ = 	snop  }
0xe0: {  	[tilespmem:s2], [sflag:$0x3] =	stream.linear.gather [hbm4b:s11+s2], $0x640, $0x38;
	[tilespmem:$0x1A0A0] =	vst v63  }
0xe1: {  	_ =	swait.ge [sflag:s3], $0x640  }
0xe2: {  	[sflag:s3] =	ssyncset.done $0x0  }
0xe3: {  	[sflag:s3] =	ssyncadd.s32 $0xFFFFF9C0  }
0xe4: {  	[tilespmem:s6], [sflag:$0x1] =	stream.indirect.gather [hbm4b:s12+s5], $0x20, s2, s5, $0xb8;
	[tilespmem:$0x1A0A0] =	vst v63  }
0xe5: {  	_ =	swait.ge [sflag:s9], $0xC800  }
0xe6: {  	[sflag:s9] =	ssyncset.done $0x0  }
0xe7: {  	[sflag:s9] =	ssyncadd.s32 $0xFFFF3800  }
0xe8: {  	_ =	swait.ge [sflag:s7], $0xC800  }
0xe9: {  	[sflag:s7] =	ssyncset.done $0x0  }
0xea: {  	[sflag:s7] =	ssyncadd.s32 $0xFFFF3800  }
0xeb: {  	[hbm4b:s13+s2] =	stream.linear.scatter [tilespmem:s6], [sflag:$0x2], $0xC800, $0x38;
	[tilespmem:$0x1A0A0] =	vst v63  }
0xec: {  	_ = 	snop  }
0xed: {  	[tilespmem:s5], [sflag:$0x3] =	stream.linear.gather [hbm4b:s14+s2], $0x640, $0x38;
	[tilespmem:$0x1A0A0] =	vst v63  }
0xee: {  	_ =	swait.ge [sflag:s3], $0x640  }
0xef: {  	[sflag:s3] =	ssyncset.done $0x0  }
0xf0: {  	[sflag:s3] =	ssyncadd.s32 $0xFFFFF9C0  }
0xf1: {  	[tilespmem:s8], [sflag:$0x1] =	stream.indirect.gather [hbm4b:s12+s5], $0x20, s5, s5, $0xb8;
	[tilespmem:$0x1A0A0] =	vst v63  }
0xf2: {  	_ =	swait.ge [sflag:s9], $0xC800  }
0xf3: {  	[sflag:s9] =	ssyncset.done $0x0  }
0xf4: {  	[sflag:s9] =	ssyncadd.s32 $0xFFFF3800  }
0xf5: {  	_ =	swait.ge [sflag:s7], $0xC800  }
0xf6: {  	[sflag:s7] =	ssyncset.done $0x0  }
0xf7: {  	[sflag:s7] =	ssyncadd.s32 $0xFFFF3800  }
0xf8: {  	[hbm4b:s15+s2] =	stream.linear.scatter [tilespmem:s8], [sflag:$0x2], $0xC800, $0x38;
	[tilespmem:$0x1A0A0] =	vst v63  }
0xf9: {  	_ = 	snop  }
0xfa: {  	[tilespmem:s2], [sflag:$0x3] =	stream.linear.gather [hbm4b:s16+s2], $0x640, $0x38;
	[tilespmem:$0x1A0A0] =	vst v63  }
0xfb: {  	_ =	swait.ge [sflag:s3], $0x640  }
0xfc: {  	[sflag:s3] =	ssyncset.done $0x0  }
0xfd: {  	[sflag:s3] =	ssyncadd.s32 $0xFFFFF9C0  }
0xfe: {  	[tilespmem:s6], [sflag:$0x1] =	stream.indirect.gather [hbm4b:s12+s5], $0x20, s2, s5, $0xb8;
	[tilespmem:$0x1A0A0] =	vst v63  }
0xff: {  	_ =	swait.ge [sflag:s9], $0xC800  }
0x100: {  	[sflag:s9] =	ssyncset.done $0x0  }
0x101: {  	[sflag:s9] =	ssyncadd.s32 $0xFFFF3800  }
0x102: {  	_ =	swait.ge [sflag:s7], $0xC800  }
0x103: {  	[sflag:s7] =	ssyncset.done $0x0  }
0x104: {  	[sflag:s7] =	ssyncadd.s32 $0xFFFF3800  }
0x105: {  	[hbm4b:s17+s2] =	stream.linear.scatter [tilespmem:s6], [sflag:$0x2], $0xC800, $0x38;
	[tilespmem:$0x1A0A0] =	vst v63  }
0x106: {  	_ = 	snop  }
0x107: {  	[tilespmem:s5], [sflag:$0x3] =	stream.linear.gather [hbm4b:s18+s2], $0x640, $0x38;
	[tilespmem:$0x1A0A0] =	vst v63  }
0x108: {  	_ =	swait.ge [sflag:s3], $0x640  }
0x109: {  	[sflag:s3] =	ssyncset.done $0x0  }
0x10a: {  	[sflag:s3] =	ssyncadd.s32 $0xFFFFF9C0  }
0x10b: {  	[tilespmem:s8], [sflag:$0x1] =	stream.indirect.gather [hbm4b:s12+s5], $0x20, s5, s5, $0xb8;
	[tilespmem:$0x1A0A0] =	vst v63  }
0x10c: {  	_ =	swait.ge [sflag:s9], $0xC800  }
0x10d: {  	[sflag:s9] =	ssyncset.done $0x0  }
0x10e: {  	[sflag:s9] =	ssyncadd.s32 $0xFFFF3800  }
0x10f: {  	_ =	swait.ge [sflag:s7], $0xC800  }
0x110: {  	[sflag:s7] =	ssyncset.done $0x0  }
0x111: {  	[sflag:s7] =	ssyncadd.s32 $0xFFFF3800  }
0x112: {  	[hbm4b:s19+s2] =	stream.linear.scatter [tilespmem:s8], [sflag:$0x2], $0xC800, $0x38;
	[tilespmem:$0x1A0A0] =	vst v63  }
0x113: {  	_ =	swait.ge [sflag:s9], $0xC800  }
0x114: {  	[sflag:s9] =	ssyncset.done $0x0  }
0x115: {  	[sflag:s9] =	ssyncadd.s32 $0xFFFF3800  }
0x116: {  	[tilespmem:s21], [sflag:$0x3] =	stream.linear.gather [hbm4b:s20+s2], $0x20, $0x38;
	[tilespmem:$0x1A0A0] =	vst v63  }
0x117: {  	_ =	swait.ge [sflag:s3], $0x20  }
0x118: {  	[sflag:s3] =	ssyncset.done $0x0  }
0x119: {  	[sflag:s3] =	ssyncadd.s32 $0xFFFFFFE0  }
0x11a: {  	[tilespmem:s23], [sflag:$0x1] =	stream.indirect.gather [hbm4b:s4+s22], $0x20, s21, s22, $0xb8;
	[tilespmem:$0x1A0A0] =	vst v63  }
0x11b: {  	_ =	swait.ge [sflag:s7], $0x400  }
0x11c: {  	[sflag:s7] =	ssyncset.done $0x0  }
0x11d: {  	[sflag:s7] =	ssyncadd.s32 $0xFFFFFC00  }
0x11e: {  	[hbm4b:s24+s2] =	stream.linear.scatter [tilespmem:s23], [sflag:$0x3], $0x400, $0x38;
	[tilespmem:$0x1A0A0] =	vst v63  }
0x11f: {  	_ =	swait.ge [sflag:s3], $0x400  }
0x120: {  	[sflag:s3] =	ssyncset.done $0x0  }
0x121: {  	[sflag:s3] =	ssyncadd.s32 $0xFFFFFC00  }
0x122: {  	[tilespmem:s21], [sflag:$0x3] =	stream.linear.gather [hbm4b:s25+s2], $0x20, $0x38;
	[tilespmem:$0x1A0A0] =	vst v63  }
0x123: {  	_ =	swait.ge [sflag:s3], $0x20  }
0x124: {  	[sflag:s3] =	ssyncset.done $0x0  }
0x125: {  	[sflag:s3] =	ssyncadd.s32 $0xFFFFFFE0  }
0x126: {  	[tilespmem:s23], [sflag:$0x1] =	stream.indirect.gather [hbm4b:s12+s22], $0x20, s21, s22, $0xb8;
	[tilespmem:$0x1A0A0] =	vst v63  }
0x127: {  	_ =	swait.ge [sflag:s7], $0x400  }
0x128: {  	[sflag:s7] =	ssyncset.done $0x0  }
0x129: {  	[sflag:s7] =	ssyncadd.s32 $0xFFFFFC00  }
0x12a: {  	[hbm4b:s26+s2] =	stream.linear.scatter [tilespmem:s23], [sflag:$0x3], $0x400, $0x38;
	[tilespmem:$0x1A0A0] =	vst v63  }
0x12b: {  	_ =	swait.ge [sflag:s3], $0x400  }
0x12c: {  	[sflag:s3] =	ssyncset.done $0x0  }
0x12d: {  	[sflag:s3] =	ssyncadd.s32 $0xFFFFFC00  }
0x12e: {  	[tilespmem:s21], [sflag:$0x3] =	stream.linear.gather [hbm4b:s28+s2], $0x20, $0x38;
	[tilespmem:$0x1A0A0] =	vst v63  }
0x12f: {  	_ =	swait.ge [sflag:s3], $0x20  }
0x130: {  	[sflag:s3] =	ssyncset.done $0x0  }
0x131: {  	s10 =	rddreg [dreg:$0x5];
	[sflag:s3] =	ssyncadd.s32 $0xFFFFFFE0  }
0x132: {  	[tilespmem:s23], [sflag:$0x1] =	stream.indirect.gather [hbm4b:s10+s22], $0x20, s21, s22, $0xb8;
	[tilespmem:$0x1A0A0] =	vst v63  }
0x133: {  	_ =	swait.ge [sflag:s7], $0x400  }
0x134: {  	[sflag:s7] =	ssyncset.done $0x0  }
0x135: {  	[sflag:s7] =	ssyncadd.s32 $0xFFFFFC00  }
0x136: {  	[hbm4b:s29+s2] =	stream.linear.scatter [tilespmem:s23], [sflag:$0x3], $0x400, $0x38;
	[tilespmem:$0x1A0A0] =	vst v63  }
0x137: {  	_ =	swait.ge [sflag:s3], $0x400  }
0x138: {  	[sflag:s3] =	ssyncset.done $0x0  }
0x139: {  	[sflag:s3] =	ssyncadd.s32 $0xFFFFFC00  }
0x13a: {  	[tilespmem:s21], [sflag:$0x3] =	stream.linear.gather [hbm4b:s30+s2], $0x20, $0x38;
	[tilespmem:$0x1A0A0] =	vst v63  }
0x13b: {  	_ =	swait.ge [sflag:s3], $0x20  }
0x13c: {  	[sflag:s3] =	ssyncset.done $0x0  }
0x13d: {  	p0 =	sne.s32 s0, $0x1;
	s10 =	rddreg [dreg:$0x6];
	[sflag:s3] =	ssyncadd.s32 $0xFFFFFFE0  }
0x13e: {  	[tilespmem:s23], [sflag:$0x1] =	stream.indirect.gather [hbm4b:s10+s22], $0x20, s21, s22, $0xb8;
	[tilespmem:$0x1A0A0] =	vst v63  }
.Ltmp1:
0x13f: {  	_ =	swait.ge [sflag:s7], $0x400;
	(pc) =	sbr.rel @p0 .LBB2_1-.Ltmp1, $4  }
0x140: {  	[sflag:s7] =	ssyncset.done $0x0  }
0x141: {  	[sflag:s7] =	ssyncadd.s32 $0xFFFFFC00  }
0x142: {  	[hbm4b:s31+s2] =	stream.linear.scatter [tilespmem:s23], [sflag:$0x3], $0x400, $0x38;
	[tilespmem:$0x1A0A0] =	vst v63  }
0x143: {  	s0 =	sadd.s32 $0xFFFFFFFF, s0;
	_ =	swait.ge [sflag:s3], $0x400  }
.LBB2_2:
0x144: {  	[sflag:s3] =	ssyncset.done $0x0  }
0x145: {  	[sflag:s3] =	ssyncadd.s32 $0xFFFFFC00  }
0x146: {  	_ =	sfence.sel $0x180000  }
0x147: {  	[bflag:$0x0] =	sbarrier.arrive $0xFFFF  }
0x148: {  	_ =	strace $0x90000047  }
0x149: {  	s0 =	stileid.u32;
	[bflag:$0x2] =	sbarrier.arrive $0xFFFF  }
0x14a: {  	p0 =	sne.s32 s0, $0x0;
	s0 =	rddreg [dreg:$0x4]  }
0x14b: {  	s0 =	sadd.s32 @!p0 $0x100000, s0  }
0x14c: {  	[sflag:s0] =	ssyncadd.tile.s32 @!p0 $0x1;
	_ =	shalt  }
.Lfunc_end2:
_tile_overlayer_lowered:
.L_overlay_start_2:
0x14d: {  	(tag) =	ssettag $0x2  }
0x14e: {  	s0 =	rddreg [dreg:$0x0];
	s2 =	stileid.u32  }
0x14f: {  	s1 =	rddreg [dreg:$0x1];
	p0 =	sne.s32 s2, $0x0  }
0x150: {  	s3 =	rddreg [dreg:$0x2];
	[bflag:$0x3] =	sbarrier.arrive $0xFFFF;
	s2 =	simm.s32 @!p0 $0x1C03  }
0x151: {  	[timem:s3], [sflag:s2] =	dma.local @!p0 [hbm:s0], s1  }
0x152: {  	s0 =	simm.s32 @!p0 $0x3  }
0x153: {  	_ =	swait.ge @!p0 [sflag:s0], s1  }
0x154: {  	s1 =	ssub.s32 @!p0 $0x0, s1;
	[sflag:s0] =	ssyncset.done @!p0 $0x0  }
0x155: {  	[sflag:s0] =	ssyncadd.s32 @!p0 s1  }
0x156: {  	[bflag:$0x3] =	sbarrier.arrive $0xFFFF  }
0x157: {  	_ =	shalt  }

</sc_bundles>
